<compile_context>
chip_gen: v7x
topology: tpu7x:2x2x1
jax: 0.10.2.dev20260603
libtpu: 0.0.44.dev20260713+nightly
codegen_flags: <defaults>
</compile_context>

<pallas_src>
import functools

import jax
import jax.numpy as jnp
from jax import lax
from jax.experimental import pallas as pl
from jax.experimental.pallas import tpu as pltpu
from jax.experimental.pallas import tpu_sc as plsc

N_TOKENS = 2048
D = 768
N_LEAVES = 8
N_NODES = 7
TILE = 512
NT = N_TOKENS // TILE + N_LEAVES - 1
S = NT * TILE
RB = 128
NRB = N_TOKENS // RB

NC = 2
NS = 16
NW = NC * NS
CH = N_TOKENS // NW


PCH = 512
NPC = N_TOKENS // PCH


def _plan_body(x_ref, nw_ref, nb_ref, dest_ref, texp_ref, leaf_s):
    i = pl.program_id(0)
    logits = lax.dot_general(x_ref[...], nw_ref[...],
                             dimension_numbers=(((1,), (1,)), ((), ())),
                             preferred_element_type=jnp.float32,
                             precision=lax.Precision.HIGHEST)
    logits = logits + nb_ref[...]

    c0 = logits[:, 0:1] > 0
    l1 = jnp.where(c0, logits[:, 2:3], logits[:, 1:2])
    c1 = l1 > 0
    la = jnp.where(c1, logits[:, 4:5], logits[:, 3:4])
    lb = jnp.where(c1, logits[:, 6:7], logits[:, 5:6])
    l2 = jnp.where(c0, lb, la)
    c2 = l2 > 0
    leaf_s[pl.ds(i * PCH, PCH), :] = (
        4 * c0.astype(jnp.float32) + 2 * c1.astype(jnp.float32)
        + c2.astype(jnp.float32))

    @pl.when(i == NPC - 1)
    def _finalize():
        _plan_finalize(dest_ref, texp_ref, leaf_s)


def _plan_finalize(dest_ref, texp_ref, leaf_s):
    leaf = leaf_s[...]
    hi = lax.Precision.HIGHEST
    leaf_bp = leaf.reshape(NRB, RB)
    leaf_pb = leaf_bp.T
    rep = lax.broadcasted_iota(jnp.int32, (NRB, 128), 0)
    k16 = (rep == (lax.broadcasted_iota(jnp.int32, (NRB, 128), 1) // N_LEAVES))
    leaf_rep = jnp.dot(leaf_pb, k16.astype(jnp.float32),
                       preferred_element_type=jnp.float32)
    e_lane = (lax.broadcasted_iota(jnp.int32, (RB, 128), 1) % N_LEAVES)
    m = (leaf_rep == e_lane.astype(jnp.float32)).astype(jnp.float32)

    rows = lax.broadcasted_iota(jnp.int32, (RB, RB), 0)
    cols = lax.broadcasted_iota(jnp.int32, (RB, RB), 1)
    tril = (cols < rows).astype(jnp.float32)
    pre = jnp.dot(tril, m, preferred_element_type=jnp.float32)

    tot = jnp.sum(m, axis=0, keepdims=True)
    g_r = lax.broadcasted_iota(jnp.int32, (128, 128), 0)
    g_c = lax.broadcasted_iota(jnp.int32, (128, 128), 1)
    g = ((g_r % N_LEAVES == g_c % N_LEAVES)
         & (g_r // N_LEAVES < g_c // N_LEAVES)).astype(jnp.float32)
    pfx = jnp.dot(tot, g, preferred_element_type=jnp.float32)

    h8 = (g_r % N_LEAVES == g_c).astype(jnp.float32)
    counts = jnp.dot(tot, h8, preferred_element_type=jnp.float32)[:, :N_LEAVES]
    tiles = jnp.floor((counts + (TILE - 1)) * (1.0 / TILE))
    e_r = lax.broadcasted_iota(jnp.int32, (N_LEAVES, N_LEAVES), 0)
    e_c = lax.broadcasted_iota(jnp.int32, (N_LEAVES, N_LEAVES), 1)
    strict = (e_r < e_c).astype(jnp.float32)
    po_tiles = jnp.dot(tiles, strict,
                       preferred_element_type=jnp.float32)
    po_rows = po_tiles * TILE
    lane8 = lax.broadcasted_iota(jnp.int32, (1, N_LEAVES), 1)
    po128 = jnp.zeros((1, 128), jnp.float32)
    e128 = lax.broadcasted_iota(jnp.int32, (1, 128), 1) % N_LEAVES
    for e in range(N_LEAVES):
        pe = jnp.sum(po_rows * (lane8 == e).astype(jnp.float32),
                     axis=1, keepdims=True)
        po128 = jnp.where(e128 == e, pe, po128)

    r = (pre + pfx + po128) * m
    h16 = (g_r // N_LEAVES == g_c).astype(jnp.float32)
    dest_pb = jnp.dot(r, h16, precision=hi,
                      preferred_element_type=jnp.float32)[:, :NRB]
    dest_ref[...] = dest_pb.T.astype(jnp.int32)

    jli = lax.broadcasted_iota(jnp.int32, (1, 128), 1)
    jl = jli.astype(jnp.float32)
    texp = jnp.zeros((1, 128), jnp.float32)
    for e in range(1, N_LEAVES):
        pe = jnp.sum(po_tiles * (lane8 == e).astype(jnp.float32),
                     axis=1, keepdims=True)
        texp = texp + (jl >= pe).astype(jnp.float32)
    nv = jnp.sum(tiles, axis=1, keepdims=True)
    texp = jnp.where(jli == NT, nv, texp)
    texp_ref[...] = texp.astype(jnp.int32)


def _plan_call(x, nwt, nbp, interpret=False):
    return pl.pallas_call(
        _plan_body,
        grid=(NPC,),
        in_specs=[
            pl.BlockSpec((PCH, D), lambda i: (i, 0)),
            pl.BlockSpec((N_NODES, D), lambda i: (0, 0)),
            pl.BlockSpec((1, N_NODES), lambda i: (0, 0)),
        ],
        out_specs=[
            pl.BlockSpec((NRB, 128), lambda i: (0, 0)),
            pl.BlockSpec((1, 128), lambda i: (0, 0)),
        ],
        out_shape=[
            jax.ShapeDtypeStruct((NRB, 128), jnp.int32),
            jax.ShapeDtypeStruct((1, 128), jnp.int32),
        ],
        scratch_shapes=[
            pltpu.VMEM((N_TOKENS, 1), jnp.float32),
        ],
        interpret=interpret,
    )(x, nwt, nbp)


def _ffn_body(meta_ref, xs_ref, w1_ref, b1_ref, w2_ref, b2_ref, out_ref):
    @pl.when(pl.program_id(0) < meta_ref[NT])
    def _():
        h = jnp.dot(xs_ref[...], w1_ref[0], preferred_element_type=jnp.float32)
        h = h + b1_ref[0]
        y = jnp.dot(h, w2_ref[0], preferred_element_type=jnp.float32)
        out_ref[...] = y + b2_ref[0]


def _ffn_call(meta_arr, x_sorted, w1, b1, w2, b2, interpret=False):
    def _row(i, meta):
        return jnp.minimum(i, meta[NT] - 1)

    grid_spec = pltpu.PrefetchScalarGridSpec(
        num_scalar_prefetch=1,
        grid=(NT,),
        in_specs=[
            pl.BlockSpec((TILE, D), lambda i, meta: (_row(i, meta), 0)),
            pl.BlockSpec((1, D, D), lambda i, meta: (meta[_row(i, meta)], 0, 0)),
            pl.BlockSpec((1, 1, D), lambda i, meta: (meta[_row(i, meta)], 0, 0)),
            pl.BlockSpec((1, D, D), lambda i, meta: (meta[_row(i, meta)], 0, 0)),
            pl.BlockSpec((1, 1, D), lambda i, meta: (meta[_row(i, meta)], 0, 0)),
        ],
        out_specs=pl.BlockSpec((TILE, D), lambda i, meta: (_row(i, meta), 0)),
    )
    return pl.pallas_call(
        _ffn_body,
        grid_spec=grid_spec,
        out_shape=jax.ShapeDtypeStruct((S, D), jnp.float32),
        interpret=interpret,
    )(meta_arr, x_sorted, w1, b1.reshape(N_LEAVES, 1, D),
      w2, b2.reshape(N_LEAVES, 1, D))


@functools.cache
def _sc_kernels():
    mesh = plsc.VectorSubcoreMesh(
        core_axis_name="c", subcore_axis_name="s",
        num_cores=NC, num_subcores=NS)
    scratch = [
        pltpu.VMEM((CH,), jnp.int32),
        pltpu.VMEM((CH, D), jnp.float32),
        pltpu.SemaphoreType.DMA,
    ]

    @functools.partial(
        pl.kernel,
        out_type=jax.ShapeDtypeStruct((S, D), jnp.float32),
        mesh=mesh,
        scratch_types=scratch,
    )
    def scatter_rows(x_hbm, dest_hbm, out_hbm, idx_v, rows_v, sem):
        wid = lax.axis_index("s") * NC + lax.axis_index("c")
        base = wid * CH
        pltpu.sync_copy(dest_hbm.at[pl.ds(base, CH)], idx_v)
        pltpu.sync_copy(x_hbm.at[pl.ds(base, CH)], rows_v)
        pltpu.async_copy(rows_v, out_hbm.at[idx_v], sem).wait()

    @functools.partial(
        pl.kernel,
        out_type=jax.ShapeDtypeStruct((N_TOKENS, D), jnp.float32),
        mesh=mesh,
        scratch_types=scratch,
    )
    def gather_rows(ys_hbm, dest_hbm, out_hbm, idx_v, rows_v, sem):
        wid = lax.axis_index("s") * NC + lax.axis_index("c")
        base = wid * CH
        pltpu.sync_copy(dest_hbm.at[pl.ds(base, CH)], idx_v)
        pltpu.async_copy(ys_hbm.at[idx_v], rows_v, sem).wait()
        pltpu.sync_copy(rows_v, out_hbm.at[pl.ds(base, CH)])

    return scatter_rows, gather_rows


def kernel(x, leaf_weights1, leaf_biases1, leaf_weights2, leaf_biases2,
           node_weights, node_biases):
    dest2d, texp2d = _plan_call(x, node_weights,
                                node_biases.reshape(1, N_NODES))
    dest = dest2d.reshape(N_TOKENS)
    meta_arr = texp2d[0, :NT + 1]
    scatter_rows, gather_rows = _sc_kernels()
    x_sorted = scatter_rows(x, dest)
    y_sorted = _ffn_call(meta_arr, x_sorted, leaf_weights1, leaf_biases1,
                         leaf_weights2, leaf_biases2)
    return gather_rows(y_sorted, dest)

# --- scband reference (transcript-rebuilt; emitter-appended) ---
"""Pipeline reference for scband-fast-feed-forward-987842478924 (READ-ONLY COPY).

The authoritative reference and input builder live on the scoring server;
editing this copy changes nothing except your own understanding.
"""

import jax, jax.numpy as jnp
import numpy as np
import math

IN_FEATURES = 768
LEAF_FEATURES = 768
OUT_FEATURES = 768
DEPTH = 3
N_LEAVES = 2 ** DEPTH
N_NODES = 2 ** DEPTH - 1
N_TOKENS = 2048


def _kaiming_uniform(key, shape, fan_in):
    # kaiming_uniform_ with a=sqrt(5) => bound = 1/sqrt(fan_in)
    bound = 1.0 / math.sqrt(fan_in)
    return jax.random.uniform(key, shape, minval=-bound, maxval=bound, dtype=jnp.float32)


def setup_inputs(seed: int = 0) -> dict:
    key = jax.random.key(seed)
    ks = jax.random.split(key, 7)
    x = jax.random.normal(ks[0], (N_TOKENS, IN_FEATURES), dtype=jnp.float32)
    # leaf expert parameters
    leaf_weights1 = _kaiming_uniform(ks[1], (N_LEAVES, IN_FEATURES, LEAF_FEATURES), IN_FEATURES * LEAF_FEATURES)
    leaf_biases1 = _kaiming_uniform(ks[2], (N_LEAVES, LEAF_FEATURES), IN_FEATURES * LEAF_FEATURES)
    leaf_weights2 = _kaiming_uniform(ks[3], (N_LEAVES, LEAF_FEATURES, OUT_FEATURES), LEAF_FEATURES * OUT_FEATURES)
    leaf_biases2 = _kaiming_uniform(ks[4], (N_LEAVES, OUT_FEATURES), LEAF_FEATURES * OUT_FEATURES)
    # router (tree node) parameters
    node_weights = _kaiming_uniform(ks[5], (N_NODES, IN_FEATURES), IN_FEATURES)
    node_biases = _kaiming_uniform(ks[6], (N_NODES,), IN_FEATURES)
    return {
        "x": x,
        "leaf_weights1": leaf_weights1,
        "leaf_biases1": leaf_biases1,
        "leaf_weights2": leaf_weights2,
        "leaf_biases2": leaf_biases2,
        "node_weights": node_weights,
        "node_biases": node_biases,
    }


def _get_leaf_nodes(x, node_weights, node_biases):
    batch_size = x.shape[0]
    current_nodes = jnp.zeros((batch_size,), dtype=jnp.int32)
    for _ in range(DEPTH):
        nw = jnp.take(node_weights, current_nodes, axis=0)       # [B, IN] gather
        nb = jnp.take(node_biases, current_nodes, axis=0)        # [B]   gather
        node_predictions = jnp.sum(x * nw, axis=-1) + nb          # bmm(x[B,1,IN], w[B,IN,1])
        choices = (node_predictions > 0).astype(jnp.int32)
        current_nodes = 2 * current_nodes + choices + 1
    return current_nodes - N_NODES


def reference(x, leaf_weights1, leaf_biases1, leaf_weights2, leaf_biases2, node_weights, node_biases):
    leaf_nodes = _get_leaf_nodes(x, node_weights, node_biases)   # [B] int32 in [0, N_LEAVES)
    # Per-token expert matmuls. Equivalent to gathering W[leaf] per token and bmm,
    # computed as all-expert matmul + per-token gather (avoids materializing [B, IN, LEAF]).
    idx = leaf_nodes[:, None, None]
    hidden_all = jnp.einsum('bi,lif->blf', x, leaf_weights1)     # [B, L, LEAF]
    hidden = jnp.take_along_axis(hidden_all, idx, axis=1)[:, 0, :]
    hidden = hidden + jnp.take(leaf_biases1, leaf_nodes, axis=0)
    out_all = jnp.einsum('bf,lfo->blo', hidden, leaf_weights2)   # [B, L, OUT]
    output = jnp.take_along_axis(out_all, idx, axis=1)[:, 0, :]
    output = output + jnp.take(leaf_biases2, leaf_nodes, axis=0)
    return output

if __name__ == "__main__":
    import jax
    _d = setup_inputs()
    print(jax.jit(kernel)(*tuple(_d.values())))

</pallas_src>

<mosaic_0001>
#map = affine_map<(d0, d1) -> (0, 0)>
#map1 = affine_map<(d0, d1) -> (0)>
module attributes {stable_mosaic.version = 14 : i64} {
  func.func @gather_rows(%arg0: i32, %arg1: i32, %arg2: memref<5632x768xf32, #tpu.memory_space<hbm>>, %arg3: memref<2048xi32, #tpu.memory_space<hbm>>, %arg4: memref<2048x768xf32, #tpu.memory_space<hbm>>, %arg5: memref<64xi32, #tpu.memory_space<vmem>>, %arg6: memref<64x768xf32, #tpu.memory_space<vmem>>, %arg7: memref<!tpu.dma_semaphore, #tpu.memory_space<semaphore_mem>>) attributes {dimension_semantics = [#tpu.dimension_semantics<core_parallel>, #tpu.dimension_semantics<subcore_parallel>], iteration_bounds = array<i64: 2, 16>, scalar_prefetch = 0 : i64, scratch_operands = 3 : i64, tpu.core_type = #tpu.core_type<sc_vector_subcore>, window_params = [{transform_indices = #map}, {transform_indices = #map1}, {transform_indices = #map}]} {
    %mul3A = arith.constant 2 : i32
    %mul3A_0 = arith.muli %arg1, %mul3A : i32
    %add3A = arith.addi %mul3A_0, %arg0 : i32
    %mul3A_1 = arith.constant 64 : i32
    %mul3A_2 = arith.muli %add3A, %mul3A_1 : i32
    "tpu.region"() ({
      %run_scoped3A = tpu.sem_alloc : memref<!tpu.dma_semaphore, #tpu.memory_space<semaphore_mem>>
      %dma_start3A_7 = tpu.memref_slice %arg3[%mul3A_2] : memref<2048xi32, #tpu.memory_space<hbm>> -> memref<64xi32, #tpu.memory_space<hbm>>
      %dma_start3A_8 = tpu.memref_slice %arg3[%mul3A_2] : memref<2048xi32, #tpu.memory_space<hbm>> -> memref<64xi32, #tpu.memory_space<hbm>>
      tpu.enqueue_dma source(%dma_start3A_8 : memref<64xi32, #tpu.memory_space<hbm>>) target(%arg5 : memref<64xi32, #tpu.memory_space<vmem>>) target_semaphore(%run_scoped3A : memref<!tpu.dma_semaphore, #tpu.memory_space<semaphore_mem>>)
      %dma_wait3A_9 = tpu.memref_slice %arg3[%mul3A_2] : memref<2048xi32, #tpu.memory_space<hbm>> -> memref<64xi32, #tpu.memory_space<hbm>>
      %dma_wait3A_10 = tpu.memref_slice %arg3[%mul3A_2] : memref<2048xi32, #tpu.memory_space<hbm>> -> memref<64xi32, #tpu.memory_space<hbm>>
      tpu.wait_dma2 semaphore(%run_scoped3A : memref<!tpu.dma_semaphore, #tpu.memory_space<semaphore_mem>>) src(%dma_wait3A_10 : memref<64xi32, #tpu.memory_space<hbm>>) dst(%arg5 : memref<64xi32, #tpu.memory_space<vmem>>)
      tpu.yield
    }) : () -> ()
    %dma_start3A = arith.constant 0 : i32
    %dma_start3A_3 = arith.constant 0 : i32
    %dma_start3A_4 = tpu.memref_slice %arg2[%dma_start3A, %dma_start3A_3] : memref<5632x768xf32, #tpu.memory_space<hbm>> -> memref<5632x768xf32, #tpu.memory_space<hbm>>
    tpu.enqueue_indirect_dma source(%dma_start3A_4 : memref<5632x768xf32, #tpu.memory_space<hbm>>) target(%arg6 : memref<64x768xf32, #tpu.memory_space<vmem>>) offsets(%arg5 : memref<64xi32, #tpu.memory_space<vmem>>) semaphore(%arg7 : memref<!tpu.dma_semaphore, #tpu.memory_space<semaphore_mem>>)
    %dma_wait3A = arith.constant 0 : i32
    %dma_wait3A_5 = arith.constant 0 : i32
    %dma_wait3A_6 = tpu.memref_slice %arg2[%dma_wait3A, %dma_wait3A_5] : memref<5632x768xf32, #tpu.memory_space<hbm>> -> memref<5632x768xf32, #tpu.memory_space<hbm>>
    tpu.wait_indirect_dma semaphore(%arg7 : memref<!tpu.dma_semaphore, #tpu.memory_space<semaphore_mem>>) src(%dma_wait3A_6 : memref<5632x768xf32, #tpu.memory_space<hbm>>) dst(%arg6 : memref<64x768xf32, #tpu.memory_space<vmem>>)
    "tpu.region"() ({
      %run_scoped3A = tpu.sem_alloc : memref<!tpu.dma_semaphore, #tpu.memory_space<semaphore_mem>>
      %dma_start3A_7 = arith.constant 0 : i32
      %dma_start3A_8 = tpu.memref_slice %arg4[%mul3A_2, %dma_start3A_7] : memref<2048x768xf32, #tpu.memory_space<hbm>> -> memref<64x768xf32, #tpu.memory_space<hbm>>
      %dma_start3A_9 = arith.constant 0 : i32
      %dma_start3A_10 = tpu.memref_slice %arg4[%mul3A_2, %dma_start3A_9] : memref<2048x768xf32, #tpu.memory_space<hbm>> -> memref<64x768xf32, #tpu.memory_space<hbm>>
      tpu.enqueue_dma source(%arg6 : memref<64x768xf32, #tpu.memory_space<vmem>>) target(%dma_start3A_10 : memref<64x768xf32, #tpu.memory_space<hbm>>) target_semaphore(%run_scoped3A : memref<!tpu.dma_semaphore, #tpu.memory_space<semaphore_mem>>)
      %dma_wait3A_11 = arith.constant 0 : i32
      %dma_wait3A_12 = tpu.memref_slice %arg4[%mul3A_2, %dma_wait3A_11] : memref<2048x768xf32, #tpu.memory_space<hbm>> -> memref<64x768xf32, #tpu.memory_space<hbm>>
      %dma_wait3A_13 = arith.constant 0 : i32
      %dma_wait3A_14 = tpu.memref_slice %arg4[%mul3A_2, %dma_wait3A_13] : memref<2048x768xf32, #tpu.memory_space<hbm>> -> memref<64x768xf32, #tpu.memory_space<hbm>>
      tpu.wait_dma2 semaphore(%run_scoped3A : memref<!tpu.dma_semaphore, #tpu.memory_space<semaphore_mem>>) src(%arg6 : memref<64x768xf32, #tpu.memory_space<vmem>>) dst(%dma_wait3A_14 : memref<64x768xf32, #tpu.memory_space<hbm>>)
      tpu.yield
    }) : () -> ()
    return
  }
}

#map = affine_map<(d0, d1) -> (0, 0)>
#map1 = affine_map<(d0, d1) -> (0)>
module attributes {stable_mosaic.version = 14 : i64} {
  func.func @scatter_rows(%arg0: i32, %arg1: i32, %arg2: memref<2048x768xf32, #tpu.memory_space<hbm>>, %arg3: memref<2048xi32, #tpu.memory_space<hbm>>, %arg4: memref<5632x768xf32, #tpu.memory_space<hbm>>, %arg5: memref<64xi32, #tpu.memory_space<vmem>>, %arg6: memref<64x768xf32, #tpu.memory_space<vmem>>, %arg7: memref<!tpu.dma_semaphore, #tpu.memory_space<semaphore_mem>>) attributes {dimension_semantics = [#tpu.dimension_semantics<core_parallel>, #tpu.dimension_semantics<subcore_parallel>], iteration_bounds = array<i64: 2, 16>, scalar_prefetch = 0 : i64, scratch_operands = 3 : i64, tpu.core_type = #tpu.core_type<sc_vector_subcore>, window_params = [{transform_indices = #map}, {transform_indices = #map1}, {transform_indices = #map}]} {
    %mul3A = arith.constant 2 : i32
    %mul3A_0 = arith.muli %arg1, %mul3A : i32
    %add3A = arith.addi %mul3A_0, %arg0 : i32
    %mul3A_1 = arith.constant 64 : i32
    %mul3A_2 = arith.muli %add3A, %mul3A_1 : i32
    "tpu.region"() ({
      %run_scoped3A = tpu.sem_alloc : memref<!tpu.dma_semaphore, #tpu.memory_space<semaphore_mem>>
      %dma_start3A_7 = tpu.memref_slice %arg3[%mul3A_2] : memref<2048xi32, #tpu.memory_space<hbm>> -> memref<64xi32, #tpu.memory_space<hbm>>
      %dma_start3A_8 = tpu.memref_slice %arg3[%mul3A_2] : memref<2048xi32, #tpu.memory_space<hbm>> -> memref<64xi32, #tpu.memory_space<hbm>>
      tpu.enqueue_dma source(%dma_start3A_8 : memref<64xi32, #tpu.memory_space<hbm>>) target(%arg5 : memref<64xi32, #tpu.memory_space<vmem>>) target_semaphore(%run_scoped3A : memref<!tpu.dma_semaphore, #tpu.memory_space<semaphore_mem>>)
      %dma_wait3A_9 = tpu.memref_slice %arg3[%mul3A_2] : memref<2048xi32, #tpu.memory_space<hbm>> -> memref<64xi32, #tpu.memory_space<hbm>>
      %dma_wait3A_10 = tpu.memref_slice %arg3[%mul3A_2] : memref<2048xi32, #tpu.memory_space<hbm>> -> memref<64xi32, #tpu.memory_space<hbm>>
      tpu.wait_dma2 semaphore(%run_scoped3A : memref<!tpu.dma_semaphore, #tpu.memory_space<semaphore_mem>>) src(%dma_wait3A_10 : memref<64xi32, #tpu.memory_space<hbm>>) dst(%arg5 : memref<64xi32, #tpu.memory_space<vmem>>)
      tpu.yield
    }) : () -> ()
    "tpu.region"() ({
      %run_scoped3A = tpu.sem_alloc : memref<!tpu.dma_semaphore, #tpu.memory_space<semaphore_mem>>
      %dma_start3A_7 = arith.constant 0 : i32
      %dma_start3A_8 = tpu.memref_slice %arg2[%mul3A_2, %dma_start3A_7] : memref<2048x768xf32, #tpu.memory_space<hbm>> -> memref<64x768xf32, #tpu.memory_space<hbm>>
      %dma_start3A_9 = arith.constant 0 : i32
      %dma_start3A_10 = tpu.memref_slice %arg2[%mul3A_2, %dma_start3A_9] : memref<2048x768xf32, #tpu.memory_space<hbm>> -> memref<64x768xf32, #tpu.memory_space<hbm>>
      tpu.enqueue_dma source(%dma_start3A_10 : memref<64x768xf32, #tpu.memory_space<hbm>>) target(%arg6 : memref<64x768xf32, #tpu.memory_space<vmem>>) target_semaphore(%run_scoped3A : memref<!tpu.dma_semaphore, #tpu.memory_space<semaphore_mem>>)
      %dma_wait3A_11 = arith.constant 0 : i32
      %dma_wait3A_12 = tpu.memref_slice %arg2[%mul3A_2, %dma_wait3A_11] : memref<2048x768xf32, #tpu.memory_space<hbm>> -> memref<64x768xf32, #tpu.memory_space<hbm>>
      %dma_wait3A_13 = arith.constant 0 : i32
      %dma_wait3A_14 = tpu.memref_slice %arg2[%mul3A_2, %dma_wait3A_13] : memref<2048x768xf32, #tpu.memory_space<hbm>> -> memref<64x768xf32, #tpu.memory_space<hbm>>
      tpu.wait_dma2 semaphore(%run_scoped3A : memref<!tpu.dma_semaphore, #tpu.memory_space<semaphore_mem>>) src(%dma_wait3A_14 : memref<64x768xf32, #tpu.memory_space<hbm>>) dst(%arg6 : memref<64x768xf32, #tpu.memory_space<vmem>>)
      tpu.yield
    }) : () -> ()
    %dma_start3A = arith.constant 0 : i32
    %dma_start3A_3 = arith.constant 0 : i32
    %dma_start3A_4 = tpu.memref_slice %arg4[%dma_start3A, %dma_start3A_3] : memref<5632x768xf32, #tpu.memory_space<hbm>> -> memref<5632x768xf32, #tpu.memory_space<hbm>>
    tpu.enqueue_indirect_dma source(%arg6 : memref<64x768xf32, #tpu.memory_space<vmem>>) target(%dma_start3A_4 : memref<5632x768xf32, #tpu.memory_space<hbm>>) offsets(%arg5 : memref<64xi32, #tpu.memory_space<vmem>>) semaphore(%arg7 : memref<!tpu.dma_semaphore, #tpu.memory_space<semaphore_mem>>)
    %dma_wait3A = arith.constant 0 : i32
    %dma_wait3A_5 = arith.constant 0 : i32
    %dma_wait3A_6 = tpu.memref_slice %arg4[%dma_wait3A, %dma_wait3A_5] : memref<5632x768xf32, #tpu.memory_space<hbm>> -> memref<5632x768xf32, #tpu.memory_space<hbm>>
    tpu.wait_indirect_dma semaphore(%arg7 : memref<!tpu.dma_semaphore, #tpu.memory_space<semaphore_mem>>) src(%arg6 : memref<64x768xf32, #tpu.memory_space<vmem>>) dst(%dma_wait3A_6 : memref<5632x768xf32, #tpu.memory_space<hbm>>)
    return
  }
}

module attributes {stable_mosaic.version = 14 : i64} {
  func.func @_ffn_body(%arg0: i32, %arg1: memref<12xi32, #tpu.memory_space<smem>>, %arg2: memref<512x768xf32, #tpu.memory_space<vmem>>, %arg3: memref<1x768x768xf32, #tpu.memory_space<vmem>>, %arg4: memref<1x1x768xf32, #tpu.memory_space<vmem>>, %arg5: memref<1x768x768xf32, #tpu.memory_space<vmem>>, %arg6: memref<1x1x768xf32, #tpu.memory_space<vmem>>, %arg7: memref<512x768xf32, #tpu.memory_space<vmem>>) attributes {dimension_semantics = [#tpu.dimension_semantics<arbitrary>], iteration_bounds = array<i64: 11>, scalar_prefetch = 1 : i64, scratch_operands = 0 : i64, tpu.core_type = #tpu.core_type<tc>, window_params = [{transform_indices = @transform_0, window_bounds = array<i64: 512, 768>}, {transform_indices = @transform_1, window_bounds = array<i64: 1, 768, 768>}, {transform_indices = @transform_2, window_bounds = array<i64: 1, 1, 768>}, {transform_indices = @transform_3, window_bounds = array<i64: 1, 768, 768>}, {transform_indices = @transform_4, window_bounds = array<i64: 1, 1, 768>}, {transform_indices = @transform_5, window_bounds = array<i64: 512, 768>}]} {
    %get3A = arith.constant 11 : index
    %get3A_0 = memref.load %arg1[%get3A] : memref<12xi32, #tpu.memory_space<smem>>
    %lt3A = arith.cmpi slt, %arg0, %get3A_0 : i32
    %convert_element_type3A = arith.extui %lt3A : i1 to i32
    %cond3A = arith.constant 0 : i32
    %cond3A_1 = arith.cmpi ne, %convert_element_type3A, %cond3A : i32
    scf.if %cond3A_1 {
      %get3A_2 = arith.constant 0 : index
      %get3A_3 = arith.constant 0 : index
      %get3A_4 = vector.load %arg2[%get3A_2, %get3A_3] : memref<512x768xf32, #tpu.memory_space<vmem>>, vector<512x768xf32>
      %get3A_5 = arith.constant 0 : index
      %get3A_6 = arith.constant 0 : index
      %get3A_7 = arith.constant 0 : index
      %get3A_8 = vector.load %arg3[%get3A_5, %get3A_6, %get3A_7] : memref<1x768x768xf32, #tpu.memory_space<vmem>>, vector<1x768x768xf32>
      %get3A_9 = vector.shape_cast %get3A_8 : vector<1x768x768xf32> to vector<768x768xf32>
      %dot_general3A = arith.constant dense<0.000000e+00> : vector<512x768xf32>
      %dot_general3A_10 = tpu.matmul %get3A_4, %get3A_9, %dot_general3A {dimension_numbers = #tpu.dot_dimension_numbers<[1], [0], [0], [1], [0, 0, 1, 1], [], []>, transpose_lhs_hint = false} : vector<512x768xf32>, vector<768x768xf32>, vector<512x768xf32> -> vector<512x768xf32>
      %get3A_11 = arith.constant 0 : index
      %get3A_12 = arith.constant 0 : index
      %get3A_13 = arith.constant 0 : index
      %get3A_14 = vector.load %arg4[%get3A_11, %get3A_12, %get3A_13] : memref<1x1x768xf32, #tpu.memory_space<vmem>>, vector<1x1x768xf32>
      %get3A_15 = vector.shape_cast %get3A_14 : vector<1x1x768xf32> to vector<1x768xf32>
      %add3A = vector.broadcast %get3A_15 : vector<1x768xf32> to vector<512x768xf32>
      %add3A_16 = arith.addf %dot_general3A_10, %add3A : vector<512x768xf32>
      %get3A_17 = arith.constant 0 : index
      %get3A_18 = arith.constant 0 : index
      %get3A_19 = arith.constant 0 : index
      %get3A_20 = vector.load %arg5[%get3A_17, %get3A_18, %get3A_19] : memref<1x768x768xf32, #tpu.memory_space<vmem>>, vector<1x768x768xf32>
      %get3A_21 = vector.shape_cast %get3A_20 : vector<1x768x768xf32> to vector<768x768xf32>
      %dot_general3A_22 = arith.constant dense<0.000000e+00> : vector<512x768xf32>
      %dot_general3A_23 = tpu.matmul %add3A_16, %get3A_21, %dot_general3A_22 {dimension_numbers = #tpu.dot_dimension_numbers<[1], [0], [0], [1], [0, 0, 1, 1], [], []>, transpose_lhs_hint = false} : vector<512x768xf32>, vector<768x768xf32>, vector<512x768xf32> -> vector<512x768xf32>
      %get3A_24 = arith.constant 0 : index
      %get3A_25 = arith.constant 0 : index
      %get3A_26 = arith.constant 0 : index
      %get3A_27 = vector.load %arg6[%get3A_24, %get3A_25, %get3A_26] : memref<1x1x768xf32, #tpu.memory_space<vmem>>, vector<1x1x768xf32>
      %get3A_28 = vector.shape_cast %get3A_27 : vector<1x1x768xf32> to vector<1x768xf32>
      %add3A_29 = vector.broadcast %get3A_28 : vector<1x768xf32> to vector<512x768xf32>
      %add3A_30 = arith.addf %dot_general3A_23, %add3A_29 : vector<512x768xf32>
      %swap3A = arith.constant 0 : index
      %swap3A_31 = arith.constant 0 : index
      %swap3A_32 = vector.load %arg7[%swap3A, %swap3A_31] : memref<512x768xf32, #tpu.memory_space<vmem>>, vector<512x768xf32>
      tpu.vector_store %arg7[%swap3A, %swap3A_31], %add3A_30 {strides = array<i32>} : memref<512x768xf32, #tpu.memory_space<vmem>>, vector<512x768xf32>,
    } else {
    }
    return
  }
  func.func @transform_0(%arg0: i32, %arg1: memref<12xi32, #tpu.memory_space<smem>>) -> (i32, i32) {
    %get3A = arith.constant 11 : index
    %get3A_0 = memref.load %arg1[%get3A] : memref<12xi32, #tpu.memory_space<smem>>
    %sub3A = arith.constant 1 : i32
    %sub3A_1 = arith.subi %get3A_0, %sub3A : i32
    %min3A = arith.minsi %arg0, %sub3A_1 : i32
    %c0_i32 = arith.constant 0 : i32
    %c0_i32_2 = arith.constant 0 : i32
    return %min3A, %c0_i32 : i32, i32
  }
  func.func @transform_1(%arg0: i32, %arg1: memref<12xi32, #tpu.memory_space<smem>>) -> (i32, i32, i32) {
    %get3A = arith.constant 11 : index
    %get3A_0 = memref.load %arg1[%get3A] : memref<12xi32, #tpu.memory_space<smem>>
    %sub3A = arith.constant 1 : i32
    %sub3A_1 = arith.subi %get3A_0, %sub3A : i32
    %min3A = arith.minsi %arg0, %sub3A_1 : i32
    %get3A_2 = arith.index_cast %min3A : i32 to index
    %get3A_3 = memref.load %arg1[%get3A_2] : memref<12xi32, #tpu.memory_space<smem>>
    %c0_i32 = arith.constant 0 : i32
    %c0_i32_4 = arith.constant 0 : i32
    %c0_i32_5 = arith.constant 0 : i32
    return %get3A_3, %c0_i32, %c0_i32_4 : i32, i32, i32
  }
  func.func @transform_2(%arg0: i32, %arg1: memref<12xi32, #tpu.memory_space<smem>>) -> (i32, i32, i32) {
    %get3A = arith.constant 11 : index
    %get3A_0 = memref.load %arg1[%get3A] : memref<12xi32, #tpu.memory_space<smem>>
    %sub3A = arith.constant 1 : i32
    %sub3A_1 = arith.subi %get3A_0, %sub3A : i32
    %min3A = arith.minsi %arg0, %sub3A_1 : i32
    %get3A_2 = arith.index_cast %min3A : i32 to index
    %get3A_3 = memref.load %arg1[%get3A_2] : memref<12xi32, #tpu.memory_space<smem>>
    %c0_i32 = arith.constant 0 : i32
    %c0_i32_4 = arith.constant 0 : i32
    %c0_i32_5 = arith.constant 0 : i32
    return %get3A_3, %c0_i32, %c0_i32_4 : i32, i32, i32
  }
  func.func @transform_3(%arg0: i32, %arg1: memref<12xi32, #tpu.memory_space<smem>>) -> (i32, i32, i32) {
    %get3A = arith.constant 11 : index
    %get3A_0 = memref.load %arg1[%get3A] : memref<12xi32, #tpu.memory_space<smem>>
    %sub3A = arith.constant 1 : i32
    %sub3A_1 = arith.subi %get3A_0, %sub3A : i32
    %min3A = arith.minsi %arg0, %sub3A_1 : i32
    %get3A_2 = arith.index_cast %min3A : i32 to index
    %get3A_3 = memref.load %arg1[%get3A_2] : memref<12xi32, #tpu.memory_space<smem>>
    %c0_i32 = arith.constant 0 : i32
    %c0_i32_4 = arith.constant 0 : i32
    %c0_i32_5 = arith.constant 0 : i32
    return %get3A_3, %c0_i32, %c0_i32_4 : i32, i32, i32
  }
  func.func @transform_4(%arg0: i32, %arg1: memref<12xi32, #tpu.memory_space<smem>>) -> (i32, i32, i32) {
    %get3A = arith.constant 11 : index
    %get3A_0 = memref.load %arg1[%get3A] : memref<12xi32, #tpu.memory_space<smem>>
    %sub3A = arith.constant 1 : i32
    %sub3A_1 = arith.subi %get3A_0, %sub3A : i32
    %min3A = arith.minsi %arg0, %sub3A_1 : i32
    %get3A_2 = arith.index_cast %min3A : i32 to index
    %get3A_3 = memref.load %arg1[%get3A_2] : memref<12xi32, #tpu.memory_space<smem>>
    %c0_i32 = arith.constant 0 : i32
    %c0_i32_4 = arith.constant 0 : i32
    %c0_i32_5 = arith.constant 0 : i32
    return %get3A_3, %c0_i32, %c0_i32_4 : i32, i32, i32
  }
  func.func @transform_5(%arg0: i32, %arg1: memref<12xi32, #tpu.memory_space<smem>>) -> (i32, i32) {
    %get3A = arith.constant 11 : index
    %get3A_0 = memref.load %arg1[%get3A] : memref<12xi32, #tpu.memory_space<smem>>
    %sub3A = arith.constant 1 : i32
    %sub3A_1 = arith.subi %get3A_0, %sub3A : i32
    %min3A = arith.minsi %arg0, %sub3A_1 : i32
    %c0_i32 = arith.constant 0 : i32
    %c0_i32_2 = arith.constant 0 : i32
    return %min3A, %c0_i32 : i32, i32
  }
}

module attributes {stable_mosaic.version = 14 : i64} {
  func.func @_plan_body(%arg0: i32, %arg1: memref<512x768xf32, #tpu.memory_space<vmem>>, %arg2: memref<7x768xf32, #tpu.memory_space<vmem>>, %arg3: memref<1x7xf32, #tpu.memory_space<vmem>>, %arg4: memref<16x128xi32, #tpu.memory_space<vmem>>, %arg5: memref<1x128xi32, #tpu.memory_space<vmem>>, %arg6: memref<2048x1xf32, #tpu.memory_space<vmem>>) attributes {dimension_semantics = [#tpu.dimension_semantics<arbitrary>], iteration_bounds = array<i64: 4>, scalar_prefetch = 0 : i64, scratch_operands = 1 : i64, tpu.core_type = #tpu.core_type<tc>, window_params = [{transform_indices = @transform_0, window_bounds = array<i64: 512, 768>}, {pipeline_mode = #tpu.pipeline_mode<synchronous>, transform_indices = @transform_1, window_bounds = array<i64: 7, 768>}, {pipeline_mode = #tpu.pipeline_mode<synchronous>, transform_indices = @transform_2, window_bounds = array<i64: 1, 7>}, {pipeline_mode = #tpu.pipeline_mode<synchronous>, transform_indices = @transform_3, window_bounds = array<i64: 16, 128>}, {pipeline_mode = #tpu.pipeline_mode<synchronous>, transform_indices = @transform_4, window_bounds = array<i64: 1, 128>}]} {
    %get3A = arith.constant 0 : index
    %get3A_0 = arith.constant 0 : index
    %get3A_1 = vector.load %arg1[%get3A, %get3A_0] : memref<512x768xf32, #tpu.memory_space<vmem>>, vector<512x768xf32>
    %get3A_2 = arith.constant 0 : index
    %get3A_3 = arith.constant 0 : index
    %get3A_4 = vector.load %arg2[%get3A_2, %get3A_3] : memref<7x768xf32, #tpu.memory_space<vmem>>, vector<7x768xf32>
    %dot_general3A = arith.constant dense<0.000000e+00> : vector<512x7xf32>
    %dot_general3A_5 = tpu.matmul %get3A_1, %get3A_4, %dot_general3A {dimension_numbers = #tpu.dot_dimension_numbers<[1], [1], [0], [0], [0, 0, 1, 0], [], []>, precision = #tpu.contract_precision<fp32>, transpose_lhs_hint = false} : vector<512x768xf32>, vector<7x768xf32>, vector<512x7xf32> -> vector<512x7xf32>
    %get3A_6 = arith.constant 0 : index
    %get3A_7 = arith.constant 0 : index
    %get3A_8 = vector.load %arg3[%get3A_6, %get3A_7] : memref<1x7xf32, #tpu.memory_space<vmem>>, vector<1x7xf32>
    %add3A = vector.broadcast %get3A_8 : vector<1x7xf32> to vector<512x7xf32>
    %add3A_9 = arith.addf %dot_general3A_5, %add3A : vector<512x7xf32>
    %slice3A = vector.extract_strided_slice %add3A_9 {offsets = [0, 0], sizes = [512, 1], strides = [1, 1]} : vector<512x7xf32> to vector<512x1xf32>
    %gt3A = arith.constant 0.000000e+00 : f32
    %gt3A_10 = vector.broadcast %gt3A : f32 to vector<512x1xf32>
    %gt3A_11 = arith.cmpf ogt, %slice3A, %gt3A_10 : vector<512x1xf32>
    %slice3A_12 = vector.extract_strided_slice %add3A_9 {offsets = [0, 2], sizes = [512, 1], strides = [1, 1]} : vector<512x7xf32> to vector<512x1xf32>
    %slice3A_13 = vector.extract_strided_slice %add3A_9 {offsets = [0, 1], sizes = [512, 1], strides = [1, 1]} : vector<512x7xf32> to vector<512x1xf32>
    %select_n3A = arith.select %gt3A_11, %slice3A_12, %slice3A_13 : vector<512x1xi1>, vector<512x1xf32>
    %gt3A_14 = arith.constant 0.000000e+00 : f32
    %gt3A_15 = vector.broadcast %gt3A_14 : f32 to vector<512x1xf32>
    %gt3A_16 = arith.cmpf ogt, %select_n3A, %gt3A_15 : vector<512x1xf32>
    %slice3A_17 = vector.extract_strided_slice %add3A_9 {offsets = [0, 4], sizes = [512, 1], strides = [1, 1]} : vector<512x7xf32> to vector<512x1xf32>
    %slice3A_18 = vector.extract_strided_slice %add3A_9 {offsets = [0, 3], sizes = [512, 1], strides = [1, 1]} : vector<512x7xf32> to vector<512x1xf32>
    %select_n3A_19 = arith.select %gt3A_16, %slice3A_17, %slice3A_18 : vector<512x1xi1>, vector<512x1xf32>
    %slice3A_20 = vector.extract_strided_slice %add3A_9 {offsets = [0, 6], sizes = [512, 1], strides = [1, 1]} : vector<512x7xf32> to vector<512x1xf32>
    %slice3A_21 = vector.extract_strided_slice %add3A_9 {offsets = [0, 5], sizes = [512, 1], strides = [1, 1]} : vector<512x7xf32> to vector<512x1xf32>
    %select_n3A_22 = arith.select %gt3A_16, %slice3A_20, %slice3A_21 : vector<512x1xi1>, vector<512x1xf32>
    %select_n3A_23 = arith.select %gt3A_11, %select_n3A_22, %select_n3A_19 : vector<512x1xi1>, vector<512x1xf32>
    %gt3A_24 = arith.constant 0.000000e+00 : f32
    %gt3A_25 = vector.broadcast %gt3A_24 : f32 to vector<512x1xf32>
    %gt3A_26 = arith.cmpf ogt, %select_n3A_23, %gt3A_25 : vector<512x1xf32>
    %convert_element_type3A = arith.extui %gt3A_11 : vector<512x1xi1> to vector<512x1xi32>
    %convert_element_type3A_27 = arith.sitofp %convert_element_type3A : vector<512x1xi32> to vector<512x1xf32>
    %mul3A = arith.constant 4.000000e+00 : f32
    %mul3A_28 = vector.broadcast %mul3A : f32 to vector<512x1xf32>
    %mul3A_29 = arith.mulf %mul3A_28, %convert_element_type3A_27 : vector<512x1xf32>
    %convert_element_type3A_30 = arith.extui %gt3A_16 : vector<512x1xi1> to vector<512x1xi32>
    %convert_element_type3A_31 = arith.sitofp %convert_element_type3A_30 : vector<512x1xi32> to vector<512x1xf32>
    %mul3A_32 = arith.constant 2.000000e+00 : f32
    %mul3A_33 = vector.broadcast %mul3A_32 : f32 to vector<512x1xf32>
    %mul3A_34 = arith.mulf %mul3A_33, %convert_element_type3A_31 : vector<512x1xf32>
    %add3A_35 = arith.addf %mul3A_29, %mul3A_34 : vector<512x1xf32>
    %convert_element_type3A_36 = arith.extui %gt3A_26 : vector<512x1xi1> to vector<512x1xi32>
    %convert_element_type3A_37 = arith.sitofp %convert_element_type3A_36 : vector<512x1xi32> to vector<512x1xf32>
    %add3A_38 = arith.addf %add3A_35, %convert_element_type3A_37 : vector<512x1xf32>
    %mul3A_39 = arith.constant 512 : i32
    %mul3A_40 = arith.muli %arg0, %mul3A_39 : i32
    %swap3A = arith.index_cast %mul3A_40 : i32 to index
    %swap3A_41 = arith.constant 0 : index
    %swap3A_42 = vector.load %arg6[%swap3A, %swap3A_41] : memref<2048x1xf32, #tpu.memory_space<vmem>>, vector<512x1xf32>
    tpu.vector_store %arg6[%swap3A, %swap3A_41], %add3A_38 {strides = array<i32>} : memref<2048x1xf32, #tpu.memory_space<vmem>>, vector<512x1xf32>,
    %eq3A = arith.constant 3 : i32
    %eq3A_43 = arith.cmpi eq, %arg0, %eq3A : i32
    %convert_element_type3A_44 = arith.extui %eq3A_43 : i1 to i32
    %cond3A = arith.constant 0 : i32
    %cond3A_45 = arith.cmpi ne, %convert_element_type3A_44, %cond3A : i32
    scf.if %cond3A_45 {
      %get3A_46 = arith.constant 0 : index
      %get3A_47 = arith.constant 0 : index
      %get3A_48 = vector.load %arg6[%get3A_46, %get3A_47] : memref<2048x1xf32, #tpu.memory_space<vmem>>, vector<2048x1xf32>
      %reshape3A = vector.shape_cast %get3A_48 : vector<2048x1xf32> to vector<16x128xf32>
      %transpose3A = tpu.transpose %reshape3A, [1, 0] : vector<16x128xf32> -> vector<128x16xf32>
      %iota3A = tpu.iota {dimensions = array<i32: 0>} : vector<16x128xi32>
      %iota3A_49 = tpu.iota {dimensions = array<i32: 1>} : vector<16x128xi32>
      %jit3A = arith.constant 8 : i32
      %div3A = vector.broadcast %jit3A : i32 to vector<16x128xi32>
      %div3A_50 = arith.divsi %iota3A_49, %div3A : vector<16x128xi32>
      %sign3A = arith.constant 0 : i32
      %sign3A_51 = vector.broadcast %sign3A : i32 to vector<16x128xi32>
      %sign3A_52 = arith.cmpi sgt, %iota3A_49, %sign3A_51 : vector<16x128xi32>
      %sign3A_53 = arith.extui %sign3A_52 : vector<16x128xi1> to vector<16x128xi32>
      %sign3A_54 = arith.constant 0 : i32
      %sign3A_55 = vector.broadcast %sign3A_54 : i32 to vector<16x128xi32>
      %sign3A_56 = arith.cmpi slt, %iota3A_49, %sign3A_55 : vector<16x128xi32>
      %sign3A_57 = arith.extui %sign3A_56 : vector<16x128xi1> to vector<16x128xi32>
      %sign3A_58 = arith.subi %sign3A_53, %sign3A_57 : vector<16x128xi32>
      %sign3A_59 = arith.constant 0 : i32
      %sign3A_60 = arith.cmpi sgt, %jit3A, %sign3A_59 : i32
      %sign3A_61 = arith.extui %sign3A_60 : i1 to i32
      %sign3A_62 = arith.constant 0 : i32
      %sign3A_63 = arith.cmpi slt, %jit3A, %sign3A_62 : i32
      %sign3A_64 = arith.extui %sign3A_63 : i1 to i32
      %sign3A_65 = arith.subi %sign3A_61, %sign3A_64 : i32
      %ne3A = vector.broadcast %sign3A_65 : i32 to vector<16x128xi32>
      %ne3A_66 = arith.cmpi ne, %sign3A_58, %ne3A : vector<16x128xi32>
      %rem3A = vector.broadcast %jit3A : i32 to vector<16x128xi32>
      %rem3A_67 = arith.remsi %iota3A_49, %rem3A : vector<16x128xi32>
      %ne3A_68 = arith.constant 0 : i32
      %ne3A_69 = vector.broadcast %ne3A_68 : i32 to vector<16x128xi32>
      %ne3A_70 = arith.cmpi ne, %rem3A_67, %ne3A_69 : vector<16x128xi32>
      %and3A = arith.andi %ne3A_66, %ne3A_70 : vector<16x128xi1>
      %sub3A = arith.constant 1 : i32
      %sub3A_71 = vector.broadcast %sub3A : i32 to vector<16x128xi32>
      %sub3A_72 = arith.subi %div3A_50, %sub3A_71 : vector<16x128xi32>
      %select_n3A_73 = arith.select %and3A, %sub3A_72, %div3A_50 : vector<16x128xi1>, vector<16x128xi32>
      %eq3A_74 = arith.cmpi eq, %iota3A, %select_n3A_73 : vector<16x128xi32>
      %convert_element_type3A_75 = arith.extui %eq3A_74 : vector<16x128xi1> to vector<16x128xi32>
      %convert_element_type3A_76 = arith.sitofp %convert_element_type3A_75 : vector<16x128xi32> to vector<16x128xf32>
      %dot_general3A_77 = arith.constant dense<0.000000e+00> : vector<128x128xf32>
      %dot_general3A_78 = tpu.matmul %transpose3A, %convert_element_type3A_76, %dot_general3A_77 {dimension_numbers = #tpu.dot_dimension_numbers<[1], [0], [0], [1], [0, 0, 1, 1], [], []>, transpose_lhs_hint = false} : vector<128x16xf32>, vector<16x128xf32>, vector<128x128xf32> -> vector<128x128xf32>
      %iota3A_79 = tpu.iota {dimensions = array<i32: 1>} : vector<128x128xi32>
      %jit3A_80 = arith.constant 8 : i32
      %eq3A_81 = arith.constant 0 : i32
      %eq3A_82 = arith.cmpi eq, %jit3A_80, %eq3A_81 : i32
      %jit3A_83 = arith.constant 1 : i32
      %select_n3A_84 = arith.select %eq3A_82, %jit3A_83, %jit3A_80 : i32
      %rem3A_85 = vector.broadcast %select_n3A_84 : i32 to vector<128x128xi32>
      %rem3A_86 = arith.remsi %iota3A_79, %rem3A_85 : vector<128x128xi32>
      %ne3A_87 = arith.constant 0 : i32
      %ne3A_88 = vector.broadcast %ne3A_87 : i32 to vector<128x128xi32>
      %ne3A_89 = arith.cmpi ne, %rem3A_86, %ne3A_88 : vector<128x128xi32>
      %lt3A = arith.constant 0 : i32
      %lt3A_90 = vector.broadcast %lt3A : i32 to vector<128x128xi32>
      %lt3A_91 = arith.cmpi slt, %rem3A_86, %lt3A_90 : vector<128x128xi32>
      %lt3A_92 = arith.constant 0 : i32
      %lt3A_93 = arith.cmpi slt, %select_n3A_84, %lt3A_92 : i32
      %ne3A_94 = vector.broadcast %lt3A_93 : i1 to vector<128x128xi1>
      %ne3A_95 = vector.broadcast %ne3A_94 : vector<128x128xi1> to vector<128x128xi1>
      %ne3A_96 = arith.xori %lt3A_91, %ne3A_95 : vector<128x128xi1>
      %and3A_97 = arith.andi %ne3A_96, %ne3A_89 : vector<128x128xi1>
      %add3A_98 = vector.broadcast %select_n3A_84 : i32 to vector<128x128xi32>
      %add3A_99 = arith.addi %rem3A_86, %add3A_98 : vector<128x128xi32>
      %select_n3A_100 = arith.select %and3A_97, %add3A_99, %rem3A_86 : vector<128x128xi1>, vector<128x128xi32>
      %convert_element_type3A_101 = arith.sitofp %select_n3A_100 : vector<128x128xi32> to vector<128x128xf32>
      %eq3A_102 = arith.cmpf oeq, %dot_general3A_78, %convert_element_type3A_101 : vector<128x128xf32>
      %convert_element_type3A_103 = arith.extui %eq3A_102 : vector<128x128xi1> to vector<128x128xi32>
      %convert_element_type3A_104 = arith.sitofp %convert_element_type3A_103 : vector<128x128xi32> to vector<128x128xf32>
      %iota3A_105 = tpu.iota {dimensions = array<i32: 0>} : vector<128x128xi32>
      %iota3A_106 = tpu.iota {dimensions = array<i32: 1>} : vector<128x128xi32>
      %lt3A_107 = arith.cmpi slt, %iota3A_106, %iota3A_105 : vector<128x128xi32>
      %convert_element_type3A_108 = arith.extui %lt3A_107 : vector<128x128xi1> to vector<128x128xi32>
      %convert_element_type3A_109 = arith.sitofp %convert_element_type3A_108 : vector<128x128xi32> to vector<128x128xf32>
      %dot_general3A_110 = arith.constant dense<0.000000e+00> : vector<128x128xf32>
      %dot_general3A_111 = tpu.matmul %convert_element_type3A_109, %convert_element_type3A_104, %dot_general3A_110 {dimension_numbers = #tpu.dot_dimension_numbers<[1], [0], [0], [1], [0, 0, 1, 1], [], []>, transpose_lhs_hint = false} : vector<128x128xf32>, vector<128x128xf32>, vector<128x128xf32> -> vector<128x128xf32>
      %reduce_sum3A = arith.constant dense<0.000000e+00> : vector<128xf32>
      %reduce_sum3A_112 = vector.multi_reduction <add>, %convert_element_type3A_104, %reduce_sum3A [0] : vector<128x128xf32> to vector<128xf32>
      %broadcast_in_dim3A = vector.shape_cast %reduce_sum3A_112 : vector<128xf32> to vector<1x128xf32>
      %iota3A_113 = tpu.iota {dimensions = array<i32: 0>} : vector<128x128xi32>
      %iota3A_114 = tpu.iota {dimensions = array<i32: 1>} : vector<128x128xi32>
      %jit3A_115 = arith.constant 8 : i32
      %eq3A_116 = arith.constant 0 : i32
      %eq3A_117 = arith.cmpi eq, %jit3A_115, %eq3A_116 : i32
      %jit3A_118 = arith.constant 1 : i32
      %select_n3A_119 = arith.select %eq3A_117, %jit3A_118, %jit3A_115 : i32
      %rem3A_120 = vector.broadcast %select_n3A_119 : i32 to vector<128x128xi32>
      %rem3A_121 = arith.remsi %iota3A_113, %rem3A_120 : vector<128x128xi32>
      %ne3A_122 = arith.constant 0 : i32
      %ne3A_123 = vector.broadcast %ne3A_122 : i32 to vector<128x128xi32>
      %ne3A_124 = arith.cmpi ne, %rem3A_121, %ne3A_123 : vector<128x128xi32>
      %lt3A_125 = arith.constant 0 : i32
      %lt3A_126 = vector.broadcast %lt3A_125 : i32 to vector<128x128xi32>
      %lt3A_127 = arith.cmpi slt, %rem3A_121, %lt3A_126 : vector<128x128xi32>
      %lt3A_128 = arith.constant 0 : i32
      %lt3A_129 = arith.cmpi slt, %select_n3A_119, %lt3A_128 : i32
      %ne3A_130 = vector.broadcast %lt3A_129 : i1 to vector<128x128xi1>
      %ne3A_131 = vector.broadcast %ne3A_130 : vector<128x128xi1> to vector<128x128xi1>
      %ne3A_132 = arith.xori %lt3A_127, %ne3A_131 : vector<128x128xi1>
      %and3A_133 = arith.andi %ne3A_132, %ne3A_124 : vector<128x128xi1>
      %add3A_134 = vector.broadcast %select_n3A_119 : i32 to vector<128x128xi32>
      %add3A_135 = arith.addi %rem3A_121, %add3A_134 : vector<128x128xi32>
      %select_n3A_136 = arith.select %and3A_133, %add3A_135, %rem3A_121 : vector<128x128xi1>, vector<128x128xi32>
      %jit3A_137 = arith.constant 8 : i32
      %eq3A_138 = arith.constant 0 : i32
      %eq3A_139 = arith.cmpi eq, %jit3A_137, %eq3A_138 : i32
      %jit3A_140 = arith.constant 1 : i32
      %select_n3A_141 = arith.select %eq3A_139, %jit3A_140, %jit3A_137 : i32
      %rem3A_142 = vector.broadcast %select_n3A_141 : i32 to vector<128x128xi32>
      %rem3A_143 = arith.remsi %iota3A_114, %rem3A_142 : vector<128x128xi32>
      %ne3A_144 = arith.constant 0 : i32
      %ne3A_145 = vector.broadcast %ne3A_144 : i32 to vector<128x128xi32>
      %ne3A_146 = arith.cmpi ne, %rem3A_143, %ne3A_145 : vector<128x128xi32>
      %lt3A_147 = arith.constant 0 : i32
      %lt3A_148 = vector.broadcast %lt3A_147 : i32 to vector<128x128xi32>
      %lt3A_149 = arith.cmpi slt, %rem3A_143, %lt3A_148 : vector<128x128xi32>
      %lt3A_150 = arith.constant 0 : i32
      %lt3A_151 = arith.cmpi slt, %select_n3A_141, %lt3A_150 : i32
      %ne3A_152 = vector.broadcast %lt3A_151 : i1 to vector<128x128xi1>
      %ne3A_153 = vector.broadcast %ne3A_152 : vector<128x128xi1> to vector<128x128xi1>
      %ne3A_154 = arith.xori %lt3A_149, %ne3A_153 : vector<128x128xi1>
      %and3A_155 = arith.andi %ne3A_154, %ne3A_146 : vector<128x128xi1>
      %add3A_156 = vector.broadcast %select_n3A_141 : i32 to vector<128x128xi32>
      %add3A_157 = arith.addi %rem3A_143, %add3A_156 : vector<128x128xi32>
      %select_n3A_158 = arith.select %and3A_155, %add3A_157, %rem3A_143 : vector<128x128xi1>, vector<128x128xi32>
      %eq3A_159 = arith.cmpi eq, %select_n3A_136, %select_n3A_158 : vector<128x128xi32>
      %jit3A_160 = arith.constant 8 : i32
      %div3A_161 = vector.broadcast %jit3A_160 : i32 to vector<128x128xi32>
      %div3A_162 = arith.divsi %iota3A_113, %div3A_161 : vector<128x128xi32>
      %sign3A_163 = arith.constant 0 : i32
      %sign3A_164 = vector.broadcast %sign3A_163 : i32 to vector<128x128xi32>
      %sign3A_165 = arith.cmpi sgt, %iota3A_113, %sign3A_164 : vector<128x128xi32>
      %sign3A_166 = arith.extui %sign3A_165 : vector<128x128xi1> to vector<128x128xi32>
      %sign3A_167 = arith.constant 0 : i32
      %sign3A_168 = vector.broadcast %sign3A_167 : i32 to vector<128x128xi32>
      %sign3A_169 = arith.cmpi slt, %iota3A_113, %sign3A_168 : vector<128x128xi32>
      %sign3A_170 = arith.extui %sign3A_169 : vector<128x128xi1> to vector<128x128xi32>
      %sign3A_171 = arith.subi %sign3A_166, %sign3A_170 : vector<128x128xi32>
      %sign3A_172 = arith.constant 0 : i32
      %sign3A_173 = arith.cmpi sgt, %jit3A_160, %sign3A_172 : i32
      %sign3A_174 = arith.extui %sign3A_173 : i1 to i32
      %sign3A_175 = arith.constant 0 : i32
      %sign3A_176 = arith.cmpi slt, %jit3A_160, %sign3A_175 : i32
      %sign3A_177 = arith.extui %sign3A_176 : i1 to i32
      %sign3A_178 = arith.subi %sign3A_174, %sign3A_177 : i32
      %ne3A_179 = vector.broadcast %sign3A_178 : i32 to vector<128x128xi32>
      %ne3A_180 = arith.cmpi ne, %sign3A_171, %ne3A_179 : vector<128x128xi32>
      %rem3A_181 = vector.broadcast %jit3A_160 : i32 to vector<128x128xi32>
      %rem3A_182 = arith.remsi %iota3A_113, %rem3A_181 : vector<128x128xi32>
      %ne3A_183 = arith.constant 0 : i32
      %ne3A_184 = vector.broadcast %ne3A_183 : i32 to vector<128x128xi32>
      %ne3A_185 = arith.cmpi ne, %rem3A_182, %ne3A_184 : vector<128x128xi32>
      %and3A_186 = arith.andi %ne3A_180, %ne3A_185 : vector<128x128xi1>
      %sub3A_187 = arith.constant 1 : i32
      %sub3A_188 = vector.broadcast %sub3A_187 : i32 to vector<128x128xi32>
      %sub3A_189 = arith.subi %div3A_162, %sub3A_188 : vector<128x128xi32>
      %select_n3A_190 = arith.select %and3A_186, %sub3A_189, %div3A_162 : vector<128x128xi1>, vector<128x128xi32>
      %jit3A_191 = arith.constant 8 : i32
      %div3A_192 = vector.broadcast %jit3A_191 : i32 to vector<128x128xi32>
      %div3A_193 = arith.divsi %iota3A_114, %div3A_192 : vector<128x128xi32>
      %sign3A_194 = arith.constant 0 : i32
      %sign3A_195 = vector.broadcast %sign3A_194 : i32 to vector<128x128xi32>
      %sign3A_196 = arith.cmpi sgt, %iota3A_114, %sign3A_195 : vector<128x128xi32>
      %sign3A_197 = arith.extui %sign3A_196 : vector<128x128xi1> to vector<128x128xi32>
      %sign3A_198 = arith.constant 0 : i32
      %sign3A_199 = vector.broadcast %sign3A_198 : i32 to vector<128x128xi32>
      %sign3A_200 = arith.cmpi slt, %iota3A_114, %sign3A_199 : vector<128x128xi32>
      %sign3A_201 = arith.extui %sign3A_200 : vector<128x128xi1> to vector<128x128xi32>
      %sign3A_202 = arith.subi %sign3A_197, %sign3A_201 : vector<128x128xi32>
      %sign3A_203 = arith.constant 0 : i32
      %sign3A_204 = arith.cmpi sgt, %jit3A_191, %sign3A_203 : i32
      %sign3A_205 = arith.extui %sign3A_204 : i1 to i32
      %sign3A_206 = arith.constant 0 : i32
      %sign3A_207 = arith.cmpi slt, %jit3A_191, %sign3A_206 : i32
      %sign3A_208 = arith.extui %sign3A_207 : i1 to i32
      %sign3A_209 = arith.subi %sign3A_205, %sign3A_208 : i32
      %ne3A_210 = vector.broadcast %sign3A_209 : i32 to vector<128x128xi32>
      %ne3A_211 = arith.cmpi ne, %sign3A_202, %ne3A_210 : vector<128x128xi32>
      %rem3A_212 = vector.broadcast %jit3A_191 : i32 to vector<128x128xi32>
      %rem3A_213 = arith.remsi %iota3A_114, %rem3A_212 : vector<128x128xi32>
      %ne3A_214 = arith.constant 0 : i32
      %ne3A_215 = vector.broadcast %ne3A_214 : i32 to vector<128x128xi32>
      %ne3A_216 = arith.cmpi ne, %rem3A_213, %ne3A_215 : vector<128x128xi32>
      %and3A_217 = arith.andi %ne3A_211, %ne3A_216 : vector<128x128xi1>
      %sub3A_218 = arith.constant 1 : i32
      %sub3A_219 = vector.broadcast %sub3A_218 : i32 to vector<128x128xi32>
      %sub3A_220 = arith.subi %div3A_193, %sub3A_219 : vector<128x128xi32>
      %select_n3A_221 = arith.select %and3A_217, %sub3A_220, %div3A_193 : vector<128x128xi1>, vector<128x128xi32>
      %lt3A_222 = arith.cmpi slt, %select_n3A_190, %select_n3A_221 : vector<128x128xi32>
      %and3A_223 = arith.andi %eq3A_159, %lt3A_222 : vector<128x128xi1>
      %convert_element_type3A_224 = arith.extui %and3A_223 : vector<128x128xi1> to vector<128x128xi32>
      %convert_element_type3A_225 = arith.sitofp %convert_element_type3A_224 : vector<128x128xi32> to vector<128x128xf32>
      %dot_general3A_226 = arith.constant dense<0.000000e+00> : vector<1x128xf32>
      %dot_general3A_227 = tpu.matmul %broadcast_in_dim3A, %convert_element_type3A_225, %dot_general3A_226 {dimension_numbers = #tpu.dot_dimension_numbers<[1], [0], [0], [1], [0, 0, 1, 1], [], []>, transpose_lhs_hint = false} : vector<1x128xf32>, vector<128x128xf32>, vector<1x128xf32> -> vector<1x128xf32>
      %jit3A_228 = arith.constant 8 : i32
      %eq3A_229 = arith.constant 0 : i32
      %eq3A_230 = arith.cmpi eq, %jit3A_228, %eq3A_229 : i32
      %jit3A_231 = arith.constant 1 : i32
      %select_n3A_232 = arith.select %eq3A_230, %jit3A_231, %jit3A_228 : i32
      %rem3A_233 = vector.broadcast %select_n3A_232 : i32 to vector<128x128xi32>
      %rem3A_234 = arith.remsi %iota3A_113, %rem3A_233 : vector<128x128xi32>
      %ne3A_235 = arith.constant 0 : i32
      %ne3A_236 = vector.broadcast %ne3A_235 : i32 to vector<128x128xi32>
      %ne3A_237 = arith.cmpi ne, %rem3A_234, %ne3A_236 : vector<128x128xi32>
      %lt3A_238 = arith.constant 0 : i32
      %lt3A_239 = vector.broadcast %lt3A_238 : i32 to vector<128x128xi32>
      %lt3A_240 = arith.cmpi slt, %rem3A_234, %lt3A_239 : vector<128x128xi32>
      %lt3A_241 = arith.constant 0 : i32
      %lt3A_242 = arith.cmpi slt, %select_n3A_232, %lt3A_241 : i32
      %ne3A_243 = vector.broadcast %lt3A_242 : i1 to vector<128x128xi1>
      %ne3A_244 = vector.broadcast %ne3A_243 : vector<128x128xi1> to vector<128x128xi1>
      %ne3A_245 = arith.xori %lt3A_240, %ne3A_244 : vector<128x128xi1>
      %and3A_246 = arith.andi %ne3A_245, %ne3A_237 : vector<128x128xi1>
      %add3A_247 = vector.broadcast %select_n3A_232 : i32 to vector<128x128xi32>
      %add3A_248 = arith.addi %rem3A_234, %add3A_247 : vector<128x128xi32>
      %select_n3A_249 = arith.select %and3A_246, %add3A_248, %rem3A_234 : vector<128x128xi1>, vector<128x128xi32>
      %eq3A_250 = arith.cmpi eq, %select_n3A_249, %iota3A_114 : vector<128x128xi32>
      %convert_element_type3A_251 = arith.extui %eq3A_250 : vector<128x128xi1> to vector<128x128xi32>
      %convert_element_type3A_252 = arith.sitofp %convert_element_type3A_251 : vector<128x128xi32> to vector<128x128xf32>
      %dot_general3A_253 = arith.constant dense<0.000000e+00> : vector<1x128xf32>
      %dot_general3A_254 = tpu.matmul %broadcast_in_dim3A, %convert_element_type3A_252, %dot_general3A_253 {dimension_numbers = #tpu.dot_dimension_numbers<[1], [0], [0], [1], [0, 0, 1, 1], [], []>, transpose_lhs_hint = false} : vector<1x128xf32>, vector<128x128xf32>, vector<1x128xf32> -> vector<1x128xf32>
      %slice3A_255 = vector.extract_strided_slice %dot_general3A_254 {offsets = [0, 0], sizes = [1, 8], strides = [1, 1]} : vector<1x128xf32> to vector<1x8xf32>
      %add3A_256 = arith.constant 5.110000e+02 : f32
      %add3A_257 = vector.broadcast %add3A_256 : f32 to vector<1x8xf32>
      %add3A_258 = arith.addf %slice3A_255, %add3A_257 : vector<1x8xf32>
      %mul3A_259 = arith.constant 0.001953125 : f32
      %mul3A_260 = vector.broadcast %mul3A_259 : f32 to vector<1x8xf32>
      %mul3A_261 = arith.mulf %add3A_258, %mul3A_260 : vector<1x8xf32>
      %floor3A = math.floor %mul3A_261 : vector<1x8xf32>
      %iota3A_262 = tpu.iota {dimensions = array<i32: 0>} : vector<8x8xi32>
      %iota3A_263 = tpu.iota {dimensions = array<i32: 1>} : vector<8x8xi32>
      %lt3A_264 = arith.cmpi slt, %iota3A_262, %iota3A_263 : vector<8x8xi32>
      %convert_element_type3A_265 = arith.extui %lt3A_264 : vector<8x8xi1> to vector<8x8xi32>
      %convert_element_type3A_266 = arith.sitofp %convert_element_type3A_265 : vector<8x8xi32> to vector<8x8xf32>
      %dot_general3A_267 = arith.constant dense<0.000000e+00> : vector<1x8xf32>
      %dot_general3A_268 = tpu.matmul %floor3A, %convert_element_type3A_266, %dot_general3A_267 {dimension_numbers = #tpu.dot_dimension_numbers<[1], [0], [0], [1], [0, 0, 1, 1], [], []>, transpose_lhs_hint = false} : vector<1x8xf32>, vector<8x8xf32>, vector<1x8xf32> -> vector<1x8xf32>
      %mul3A_269 = arith.constant 5.120000e+02 : f32
      %mul3A_270 = vector.broadcast %mul3A_269 : f32 to vector<1x8xf32>
      %mul3A_271 = arith.mulf %dot_general3A_268, %mul3A_270 : vector<1x8xf32>
      %iota3A_272 = tpu.iota {dimensions = array<i32: 1>} : vector<1x8xi32>
      %broadcast_in_dim3A_273 = arith.constant 0.000000e+00 : f32
      %broadcast_in_dim3A_274 = vector.broadcast %broadcast_in_dim3A_273 : f32 to vector<1x128xf32>
      %iota3A_275 = tpu.iota {dimensions = array<i32: 1>} : vector<1x128xi32>
      %jit3A_276 = arith.constant 8 : i32
      %eq3A_277 = arith.constant 0 : i32
      %eq3A_278 = arith.cmpi eq, %jit3A_276, %eq3A_277 : i32
      %jit3A_279 = arith.constant 1 : i32
      %select_n3A_280 = arith.select %eq3A_278, %jit3A_279, %jit3A_276 : i32
      %rem3A_281 = vector.broadcast %select_n3A_280 : i32 to vector<1x128xi32>
      %rem3A_282 = arith.remsi %iota3A_275, %rem3A_281 : vector<1x128xi32>
      %ne3A_283 = arith.constant 0 : i32
      %ne3A_284 = vector.broadcast %ne3A_283 : i32 to vector<1x128xi32>
      %ne3A_285 = arith.cmpi ne, %rem3A_282, %ne3A_284 : vector<1x128xi32>
      %lt3A_286 = arith.constant 0 : i32
      %lt3A_287 = vector.broadcast %lt3A_286 : i32 to vector<1x128xi32>
      %lt3A_288 = arith.cmpi slt, %rem3A_282, %lt3A_287 : vector<1x128xi32>
      %lt3A_289 = arith.constant 0 : i32
      %lt3A_290 = arith.cmpi slt, %select_n3A_280, %lt3A_289 : i32
      %ne3A_291 = vector.broadcast %lt3A_290 : i1 to vector<1x128xi1>
      %ne3A_292 = vector.broadcast %ne3A_291 : vector<1x128xi1> to vector<1x128xi1>
      %ne3A_293 = arith.xori %lt3A_288, %ne3A_292 : vector<1x128xi1>
      %and3A_294 = arith.andi %ne3A_293, %ne3A_285 : vector<1x128xi1>
      %add3A_295 = vector.broadcast %select_n3A_280 : i32 to vector<1x128xi32>
      %add3A_296 = arith.addi %rem3A_282, %add3A_295 : vector<1x128xi32>
      %select_n3A_297 = arith.select %and3A_294, %add3A_296, %rem3A_282 : vector<1x128xi1>, vector<1x128xi32>
      %eq3A_298 = arith.constant 0 : i32
      %eq3A_299 = vector.broadcast %eq3A_298 : i32 to vector<1x8xi32>
      %eq3A_300 = arith.cmpi eq, %iota3A_272, %eq3A_299 : vector<1x8xi32>
      %convert_element_type3A_301 = arith.extui %eq3A_300 : vector<1x8xi1> to vector<1x8xi32>
      %convert_element_type3A_302 = arith.sitofp %convert_element_type3A_301 : vector<1x8xi32> to vector<1x8xf32>
      %mul3A_303 = arith.mulf %mul3A_271, %convert_element_type3A_302 : vector<1x8xf32>
      %reduce_sum3A_304 = arith.constant dense<0.000000e+00> : vector<1xf32>
      %reduce_sum3A_305 = vector.multi_reduction <add>, %mul3A_303, %reduce_sum3A_304 [1] : vector<1x8xf32> to vector<1xf32>
      %broadcast_in_dim3A_306 = vector.shape_cast %reduce_sum3A_305 : vector<1xf32> to vector<1x1xf32>
      %eq3A_307 = arith.constant 0 : i32
      %eq3A_308 = vector.broadcast %eq3A_307 : i32 to vector<1x128xi32>
      %eq3A_309 = arith.cmpi eq, %select_n3A_297, %eq3A_308 : vector<1x128xi32>
      %broadcast_in_dim3A_310 = vector.shape_cast %broadcast_in_dim3A_306 : vector<1x1xf32> to vector<1x1xf32>
      %broadcast_in_dim3A_311 = vector.broadcast %broadcast_in_dim3A_310 : vector<1x1xf32> to vector<1x128xf32>
      %select_n3A_312 = arith.select %eq3A_309, %broadcast_in_dim3A_311, %broadcast_in_dim3A_274 : vector<1x128xi1>, vector<1x128xf32>
      %eq3A_313 = arith.constant 1 : i32
      %eq3A_314 = vector.broadcast %eq3A_313 : i32 to vector<1x8xi32>
      %eq3A_315 = arith.cmpi eq, %iota3A_272, %eq3A_314 : vector<1x8xi32>
      %convert_element_type3A_316 = arith.extui %eq3A_315 : vector<1x8xi1> to vector<1x8xi32>
      %convert_element_type3A_317 = arith.sitofp %convert_element_type3A_316 : vector<1x8xi32> to vector<1x8xf32>
      %mul3A_318 = arith.mulf %mul3A_271, %convert_element_type3A_317 : vector<1x8xf32>
      %reduce_sum3A_319 = arith.constant dense<0.000000e+00> : vector<1xf32>
      %reduce_sum3A_320 = vector.multi_reduction <add>, %mul3A_318, %reduce_sum3A_319 [1] : vector<1x8xf32> to vector<1xf32>
      %broadcast_in_dim3A_321 = vector.shape_cast %reduce_sum3A_320 : vector<1xf32> to vector<1x1xf32>
      %eq3A_322 = arith.constant 1 : i32
      %eq3A_323 = vector.broadcast %eq3A_322 : i32 to vector<1x128xi32>
      %eq3A_324 = arith.cmpi eq, %select_n3A_297, %eq3A_323 : vector<1x128xi32>
      %broadcast_in_dim3A_325 = vector.shape_cast %broadcast_in_dim3A_321 : vector<1x1xf32> to vector<1x1xf32>
      %broadcast_in_dim3A_326 = vector.broadcast %broadcast_in_dim3A_325 : vector<1x1xf32> to vector<1x128xf32>
      %select_n3A_327 = arith.select %eq3A_324, %broadcast_in_dim3A_326, %select_n3A_312 : vector<1x128xi1>, vector<1x128xf32>
      %eq3A_328 = arith.constant 2 : i32
      %eq3A_329 = vector.broadcast %eq3A_328 : i32 to vector<1x8xi32>
      %eq3A_330 = arith.cmpi eq, %iota3A_272, %eq3A_329 : vector<1x8xi32>
      %convert_element_type3A_331 = arith.extui %eq3A_330 : vector<1x8xi1> to vector<1x8xi32>
      %convert_element_type3A_332 = arith.sitofp %convert_element_type3A_331 : vector<1x8xi32> to vector<1x8xf32>
      %mul3A_333 = arith.mulf %mul3A_271, %convert_element_type3A_332 : vector<1x8xf32>
      %reduce_sum3A_334 = arith.constant dense<0.000000e+00> : vector<1xf32>
      %reduce_sum3A_335 = vector.multi_reduction <add>, %mul3A_333, %reduce_sum3A_334 [1] : vector<1x8xf32> to vector<1xf32>
      %broadcast_in_dim3A_336 = vector.shape_cast %reduce_sum3A_335 : vector<1xf32> to vector<1x1xf32>
      %eq3A_337 = arith.constant 2 : i32
      %eq3A_338 = vector.broadcast %eq3A_337 : i32 to vector<1x128xi32>
      %eq3A_339 = arith.cmpi eq, %select_n3A_297, %eq3A_338 : vector<1x128xi32>
      %broadcast_in_dim3A_340 = vector.shape_cast %broadcast_in_dim3A_336 : vector<1x1xf32> to vector<1x1xf32>
      %broadcast_in_dim3A_341 = vector.broadcast %broadcast_in_dim3A_340 : vector<1x1xf32> to vector<1x128xf32>
      %select_n3A_342 = arith.select %eq3A_339, %broadcast_in_dim3A_341, %select_n3A_327 : vector<1x128xi1>, vector<1x128xf32>
      %eq3A_343 = arith.constant 3 : i32
      %eq3A_344 = vector.broadcast %eq3A_343 : i32 to vector<1x8xi32>
      %eq3A_345 = arith.cmpi eq, %iota3A_272, %eq3A_344 : vector<1x8xi32>
      %convert_element_type3A_346 = arith.extui %eq3A_345 : vector<1x8xi1> to vector<1x8xi32>
      %convert_element_type3A_347 = arith.sitofp %convert_element_type3A_346 : vector<1x8xi32> to vector<1x8xf32>
      %mul3A_348 = arith.mulf %mul3A_271, %convert_element_type3A_347 : vector<1x8xf32>
      %reduce_sum3A_349 = arith.constant dense<0.000000e+00> : vector<1xf32>
      %reduce_sum3A_350 = vector.multi_reduction <add>, %mul3A_348, %reduce_sum3A_349 [1] : vector<1x8xf32> to vector<1xf32>
      %broadcast_in_dim3A_351 = vector.shape_cast %reduce_sum3A_350 : vector<1xf32> to vector<1x1xf32>
      %eq3A_352 = arith.constant 3 : i32
      %eq3A_353 = vector.broadcast %eq3A_352 : i32 to vector<1x128xi32>
      %eq3A_354 = arith.cmpi eq, %select_n3A_297, %eq3A_353 : vector<1x128xi32>
      %broadcast_in_dim3A_355 = vector.shape_cast %broadcast_in_dim3A_351 : vector<1x1xf32> to vector<1x1xf32>
      %broadcast_in_dim3A_356 = vector.broadcast %broadcast_in_dim3A_355 : vector<1x1xf32> to vector<1x128xf32>
      %select_n3A_357 = arith.select %eq3A_354, %broadcast_in_dim3A_356, %select_n3A_342 : vector<1x128xi1>, vector<1x128xf32>
      %eq3A_358 = arith.constant 4 : i32
      %eq3A_359 = vector.broadcast %eq3A_358 : i32 to vector<1x8xi32>
      %eq3A_360 = arith.cmpi eq, %iota3A_272, %eq3A_359 : vector<1x8xi32>
      %convert_element_type3A_361 = arith.extui %eq3A_360 : vector<1x8xi1> to vector<1x8xi32>
      %convert_element_type3A_362 = arith.sitofp %convert_element_type3A_361 : vector<1x8xi32> to vector<1x8xf32>
      %mul3A_363 = arith.mulf %mul3A_271, %convert_element_type3A_362 : vector<1x8xf32>
      %reduce_sum3A_364 = arith.constant dense<0.000000e+00> : vector<1xf32>
      %reduce_sum3A_365 = vector.multi_reduction <add>, %mul3A_363, %reduce_sum3A_364 [1] : vector<1x8xf32> to vector<1xf32>
      %broadcast_in_dim3A_366 = vector.shape_cast %reduce_sum3A_365 : vector<1xf32> to vector<1x1xf32>
      %eq3A_367 = arith.constant 4 : i32
      %eq3A_368 = vector.broadcast %eq3A_367 : i32 to vector<1x128xi32>
      %eq3A_369 = arith.cmpi eq, %select_n3A_297, %eq3A_368 : vector<1x128xi32>
      %broadcast_in_dim3A_370 = vector.shape_cast %broadcast_in_dim3A_366 : vector<1x1xf32> to vector<1x1xf32>
      %broadcast_in_dim3A_371 = vector.broadcast %broadcast_in_dim3A_370 : vector<1x1xf32> to vector<1x128xf32>
      %select_n3A_372 = arith.select %eq3A_369, %broadcast_in_dim3A_371, %select_n3A_357 : vector<1x128xi1>, vector<1x128xf32>
      %eq3A_373 = arith.constant 5 : i32
      %eq3A_374 = vector.broadcast %eq3A_373 : i32 to vector<1x8xi32>
      %eq3A_375 = arith.cmpi eq, %iota3A_272, %eq3A_374 : vector<1x8xi32>
      %convert_element_type3A_376 = arith.extui %eq3A_375 : vector<1x8xi1> to vector<1x8xi32>
      %convert_element_type3A_377 = arith.sitofp %convert_element_type3A_376 : vector<1x8xi32> to vector<1x8xf32>
      %mul3A_378 = arith.mulf %mul3A_271, %convert_element_type3A_377 : vector<1x8xf32>
      %reduce_sum3A_379 = arith.constant dense<0.000000e+00> : vector<1xf32>
      %reduce_sum3A_380 = vector.multi_reduction <add>, %mul3A_378, %reduce_sum3A_379 [1] : vector<1x8xf32> to vector<1xf32>
      %broadcast_in_dim3A_381 = vector.shape_cast %reduce_sum3A_380 : vector<1xf32> to vector<1x1xf32>
      %eq3A_382 = arith.constant 5 : i32
      %eq3A_383 = vector.broadcast %eq3A_382 : i32 to vector<1x128xi32>
      %eq3A_384 = arith.cmpi eq, %select_n3A_297, %eq3A_383 : vector<1x128xi32>
      %broadcast_in_dim3A_385 = vector.shape_cast %broadcast_in_dim3A_381 : vector<1x1xf32> to vector<1x1xf32>
      %broadcast_in_dim3A_386 = vector.broadcast %broadcast_in_dim3A_385 : vector<1x1xf32> to vector<1x128xf32>
      %select_n3A_387 = arith.select %eq3A_384, %broadcast_in_dim3A_386, %select_n3A_372 : vector<1x128xi1>, vector<1x128xf32>
      %eq3A_388 = arith.constant 6 : i32
      %eq3A_389 = vector.broadcast %eq3A_388 : i32 to vector<1x8xi32>
      %eq3A_390 = arith.cmpi eq, %iota3A_272, %eq3A_389 : vector<1x8xi32>
      %convert_element_type3A_391 = arith.extui %eq3A_390 : vector<1x8xi1> to vector<1x8xi32>
      %convert_element_type3A_392 = arith.sitofp %convert_element_type3A_391 : vector<1x8xi32> to vector<1x8xf32>
      %mul3A_393 = arith.mulf %mul3A_271, %convert_element_type3A_392 : vector<1x8xf32>
      %reduce_sum3A_394 = arith.constant dense<0.000000e+00> : vector<1xf32>
      %reduce_sum3A_395 = vector.multi_reduction <add>, %mul3A_393, %reduce_sum3A_394 [1] : vector<1x8xf32> to vector<1xf32>
      %broadcast_in_dim3A_396 = vector.shape_cast %reduce_sum3A_395 : vector<1xf32> to vector<1x1xf32>
      %eq3A_397 = arith.constant 6 : i32
      %eq3A_398 = vector.broadcast %eq3A_397 : i32 to vector<1x128xi32>
      %eq3A_399 = arith.cmpi eq, %select_n3A_297, %eq3A_398 : vector<1x128xi32>
      %broadcast_in_dim3A_400 = vector.shape_cast %broadcast_in_dim3A_396 : vector<1x1xf32> to vector<1x1xf32>
      %broadcast_in_dim3A_401 = vector.broadcast %broadcast_in_dim3A_400 : vector<1x1xf32> to vector<1x128xf32>
      %select_n3A_402 = arith.select %eq3A_399, %broadcast_in_dim3A_401, %select_n3A_387 : vector<1x128xi1>, vector<1x128xf32>
      %eq3A_403 = arith.constant 7 : i32
      %eq3A_404 = vector.broadcast %eq3A_403 : i32 to vector<1x8xi32>
      %eq3A_405 = arith.cmpi eq, %iota3A_272, %eq3A_404 : vector<1x8xi32>
      %convert_element_type3A_406 = arith.extui %eq3A_405 : vector<1x8xi1> to vector<1x8xi32>
      %convert_element_type3A_407 = arith.sitofp %convert_element_type3A_406 : vector<1x8xi32> to vector<1x8xf32>
      %mul3A_408 = arith.mulf %mul3A_271, %convert_element_type3A_407 : vector<1x8xf32>
      %reduce_sum3A_409 = arith.constant dense<0.000000e+00> : vector<1xf32>
      %reduce_sum3A_410 = vector.multi_reduction <add>, %mul3A_408, %reduce_sum3A_409 [1] : vector<1x8xf32> to vector<1xf32>
      %broadcast_in_dim3A_411 = vector.shape_cast %reduce_sum3A_410 : vector<1xf32> to vector<1x1xf32>
      %eq3A_412 = arith.constant 7 : i32
      %eq3A_413 = vector.broadcast %eq3A_412 : i32 to vector<1x128xi32>
      %eq3A_414 = arith.cmpi eq, %select_n3A_297, %eq3A_413 : vector<1x128xi32>
      %broadcast_in_dim3A_415 = vector.shape_cast %broadcast_in_dim3A_411 : vector<1x1xf32> to vector<1x1xf32>
      %broadcast_in_dim3A_416 = vector.broadcast %broadcast_in_dim3A_415 : vector<1x1xf32> to vector<1x128xf32>
      %select_n3A_417 = arith.select %eq3A_414, %broadcast_in_dim3A_416, %select_n3A_402 : vector<1x128xi1>, vector<1x128xf32>
      %add3A_418 = vector.broadcast %dot_general3A_227 : vector<1x128xf32> to vector<128x128xf32>
      %add3A_419 = arith.addf %dot_general3A_111, %add3A_418 : vector<128x128xf32>
      %add3A_420 = vector.broadcast %select_n3A_417 : vector<1x128xf32> to vector<128x128xf32>
      %add3A_421 = arith.addf %add3A_419, %add3A_420 : vector<128x128xf32>
      %mul3A_422 = arith.mulf %add3A_421, %convert_element_type3A_104 : vector<128x128xf32>
      %jit3A_423 = arith.constant 8 : i32
      %div3A_424 = vector.broadcast %jit3A_423 : i32 to vector<128x128xi32>
      %div3A_425 = arith.divsi %iota3A_113, %div3A_424 : vector<128x128xi32>
      %sign3A_426 = arith.constant 0 : i32
      %sign3A_427 = vector.broadcast %sign3A_426 : i32 to vector<128x128xi32>
      %sign3A_428 = arith.cmpi sgt, %iota3A_113, %sign3A_427 : vector<128x128xi32>
      %sign3A_429 = arith.extui %sign3A_428 : vector<128x128xi1> to vector<128x128xi32>
      %sign3A_430 = arith.constant 0 : i32
      %sign3A_431 = vector.broadcast %sign3A_430 : i32 to vector<128x128xi32>
      %sign3A_432 = arith.cmpi slt, %iota3A_113, %sign3A_431 : vector<128x128xi32>
      %sign3A_433 = arith.extui %sign3A_432 : vector<128x128xi1> to vector<128x128xi32>
      %sign3A_434 = arith.subi %sign3A_429, %sign3A_433 : vector<128x128xi32>
      %sign3A_435 = arith.constant 0 : i32
      %sign3A_436 = arith.cmpi sgt, %jit3A_423, %sign3A_435 : i32
      %sign3A_437 = arith.extui %sign3A_436 : i1 to i32
      %sign3A_438 = arith.constant 0 : i32
      %sign3A_439 = arith.cmpi slt, %jit3A_423, %sign3A_438 : i32
      %sign3A_440 = arith.extui %sign3A_439 : i1 to i32
      %sign3A_441 = arith.subi %sign3A_437, %sign3A_440 : i32
      %ne3A_442 = vector.broadcast %sign3A_441 : i32 to vector<128x128xi32>
      %ne3A_443 = arith.cmpi ne, %sign3A_434, %ne3A_442 : vector<128x128xi32>
      %rem3A_444 = vector.broadcast %jit3A_423 : i32 to vector<128x128xi32>
      %rem3A_445 = arith.remsi %iota3A_113, %rem3A_444 : vector<128x128xi32>
      %ne3A_446 = arith.constant 0 : i32
      %ne3A_447 = vector.broadcast %ne3A_446 : i32 to vector<128x128xi32>
      %ne3A_448 = arith.cmpi ne, %rem3A_445, %ne3A_447 : vector<128x128xi32>
      %and3A_449 = arith.andi %ne3A_443, %ne3A_448 : vector<128x128xi1>
      %sub3A_450 = arith.constant 1 : i32
      %sub3A_451 = vector.broadcast %sub3A_450 : i32 to vector<128x128xi32>
      %sub3A_452 = arith.subi %div3A_425, %sub3A_451 : vector<128x128xi32>
      %select_n3A_453 = arith.select %and3A_449, %sub3A_452, %div3A_425 : vector<128x128xi1>, vector<128x128xi32>
      %eq3A_454 = arith.cmpi eq, %select_n3A_453, %iota3A_114 : vector<128x128xi32>
      %convert_element_type3A_455 = arith.extui %eq3A_454 : vector<128x128xi1> to vector<128x128xi32>
      %convert_element_type3A_456 = arith.sitofp %convert_element_type3A_455 : vector<128x128xi32> to vector<128x128xf32>
      %dot_general3A_457 = arith.constant dense<0.000000e+00> : vector<128x128xf32>
      %dot_general3A_458 = tpu.matmul %mul3A_422, %convert_element_type3A_456, %dot_general3A_457 {dimension_numbers = #tpu.dot_dimension_numbers<[1], [0], [0], [1], [0, 0, 1, 1], [], []>, precision = #tpu.contract_precision<fp32>, transpose_lhs_hint = false} : vector<128x128xf32>, vector<128x128xf32>, vector<128x128xf32> -> vector<128x128xf32>
      %slice3A_459 = vector.extract_strided_slice %dot_general3A_458 {offsets = [0, 0], sizes = [128, 16], strides = [1, 1]} : vector<128x128xf32> to vector<128x16xf32>
      %transpose3A_460 = tpu.transpose %slice3A_459, [1, 0] : vector<128x16xf32> -> vector<16x128xf32>
      %convert_element_type3A_461 = arith.fptosi %transpose3A_460 : vector<16x128xf32> to vector<16x128xi32>
      %swap3A_462 = arith.constant 0 : index
      %swap3A_463 = arith.constant 0 : index
      %swap3A_464 = vector.load %arg4[%swap3A_462, %swap3A_463] : memref<16x128xi32, #tpu.memory_space<vmem>>, vector<16x128xi32>
      tpu.vector_store %arg4[%swap3A_462, %swap3A_463], %convert_element_type3A_461 {strides = array<i32>} : memref<16x128xi32, #tpu.memory_space<vmem>>, vector<16x128xi32>,
      %iota3A_465 = tpu.iota {dimensions = array<i32: 1>} : vector<1x128xi32>
      %convert_element_type3A_466 = arith.sitofp %iota3A_465 : vector<1x128xi32> to vector<1x128xf32>
      %broadcast_in_dim3A_467 = arith.constant 0.000000e+00 : f32
      %broadcast_in_dim3A_468 = vector.broadcast %broadcast_in_dim3A_467 : f32 to vector<1x128xf32>
      %eq3A_469 = arith.constant 1 : i32
      %eq3A_470 = vector.broadcast %eq3A_469 : i32 to vector<1x8xi32>
      %eq3A_471 = arith.cmpi eq, %iota3A_272, %eq3A_470 : vector<1x8xi32>
      %convert_element_type3A_472 = arith.extui %eq3A_471 : vector<1x8xi1> to vector<1x8xi32>
      %convert_element_type3A_473 = arith.sitofp %convert_element_type3A_472 : vector<1x8xi32> to vector<1x8xf32>
      %mul3A_474 = arith.mulf %dot_general3A_268, %convert_element_type3A_473 : vector<1x8xf32>
      %reduce_sum3A_475 = arith.constant dense<0.000000e+00> : vector<1xf32>
      %reduce_sum3A_476 = vector.multi_reduction <add>, %mul3A_474, %reduce_sum3A_475 [1] : vector<1x8xf32> to vector<1xf32>
      %broadcast_in_dim3A_477 = vector.shape_cast %reduce_sum3A_476 : vector<1xf32> to vector<1x1xf32>
      %ge3A = vector.broadcast %broadcast_in_dim3A_477 : vector<1x1xf32> to vector<1x128xf32>
      %ge3A_478 = arith.cmpf oge, %convert_element_type3A_466, %ge3A : vector<1x128xf32>
      %convert_element_type3A_479 = arith.extui %ge3A_478 : vector<1x128xi1> to vector<1x128xi32>
      %convert_element_type3A_480 = arith.sitofp %convert_element_type3A_479 : vector<1x128xi32> to vector<1x128xf32>
      %add3A_481 = arith.addf %broadcast_in_dim3A_468, %convert_element_type3A_480 : vector<1x128xf32>
      %eq3A_482 = arith.constant 2 : i32
      %eq3A_483 = vector.broadcast %eq3A_482 : i32 to vector<1x8xi32>
      %eq3A_484 = arith.cmpi eq, %iota3A_272, %eq3A_483 : vector<1x8xi32>
      %convert_element_type3A_485 = arith.extui %eq3A_484 : vector<1x8xi1> to vector<1x8xi32>
      %convert_element_type3A_486 = arith.sitofp %convert_element_type3A_485 : vector<1x8xi32> to vector<1x8xf32>
      %mul3A_487 = arith.mulf %dot_general3A_268, %convert_element_type3A_486 : vector<1x8xf32>
      %reduce_sum3A_488 = arith.constant dense<0.000000e+00> : vector<1xf32>
      %reduce_sum3A_489 = vector.multi_reduction <add>, %mul3A_487, %reduce_sum3A_488 [1] : vector<1x8xf32> to vector<1xf32>
      %broadcast_in_dim3A_490 = vector.shape_cast %reduce_sum3A_489 : vector<1xf32> to vector<1x1xf32>
      %ge3A_491 = vector.broadcast %broadcast_in_dim3A_490 : vector<1x1xf32> to vector<1x128xf32>
      %ge3A_492 = arith.cmpf oge, %convert_element_type3A_466, %ge3A_491 : vector<1x128xf32>
      %convert_element_type3A_493 = arith.extui %ge3A_492 : vector<1x128xi1> to vector<1x128xi32>
      %convert_element_type3A_494 = arith.sitofp %convert_element_type3A_493 : vector<1x128xi32> to vector<1x128xf32>
      %add3A_495 = arith.addf %add3A_481, %convert_element_type3A_494 : vector<1x128xf32>
      %eq3A_496 = arith.constant 3 : i32
      %eq3A_497 = vector.broadcast %eq3A_496 : i32 to vector<1x8xi32>
      %eq3A_498 = arith.cmpi eq, %iota3A_272, %eq3A_497 : vector<1x8xi32>
      %convert_element_type3A_499 = arith.extui %eq3A_498 : vector<1x8xi1> to vector<1x8xi32>
      %convert_element_type3A_500 = arith.sitofp %convert_element_type3A_499 : vector<1x8xi32> to vector<1x8xf32>
      %mul3A_501 = arith.mulf %dot_general3A_268, %convert_element_type3A_500 : vector<1x8xf32>
      %reduce_sum3A_502 = arith.constant dense<0.000000e+00> : vector<1xf32>
      %reduce_sum3A_503 = vector.multi_reduction <add>, %mul3A_501, %reduce_sum3A_502 [1] : vector<1x8xf32> to vector<1xf32>
      %broadcast_in_dim3A_504 = vector.shape_cast %reduce_sum3A_503 : vector<1xf32> to vector<1x1xf32>
      %ge3A_505 = vector.broadcast %broadcast_in_dim3A_504 : vector<1x1xf32> to vector<1x128xf32>
      %ge3A_506 = arith.cmpf oge, %convert_element_type3A_466, %ge3A_505 : vector<1x128xf32>
      %convert_element_type3A_507 = arith.extui %ge3A_506 : vector<1x128xi1> to vector<1x128xi32>
      %convert_element_type3A_508 = arith.sitofp %convert_element_type3A_507 : vector<1x128xi32> to vector<1x128xf32>
      %add3A_509 = arith.addf %add3A_495, %convert_element_type3A_508 : vector<1x128xf32>
      %eq3A_510 = arith.constant 4 : i32
      %eq3A_511 = vector.broadcast %eq3A_510 : i32 to vector<1x8xi32>
      %eq3A_512 = arith.cmpi eq, %iota3A_272, %eq3A_511 : vector<1x8xi32>
      %convert_element_type3A_513 = arith.extui %eq3A_512 : vector<1x8xi1> to vector<1x8xi32>
      %convert_element_type3A_514 = arith.sitofp %convert_element_type3A_513 : vector<1x8xi32> to vector<1x8xf32>
      %mul3A_515 = arith.mulf %dot_general3A_268, %convert_element_type3A_514 : vector<1x8xf32>
      %reduce_sum3A_516 = arith.constant dense<0.000000e+00> : vector<1xf32>
      %reduce_sum3A_517 = vector.multi_reduction <add>, %mul3A_515, %reduce_sum3A_516 [1] : vector<1x8xf32> to vector<1xf32>
      %broadcast_in_dim3A_518 = vector.shape_cast %reduce_sum3A_517 : vector<1xf32> to vector<1x1xf32>
      %ge3A_519 = vector.broadcast %broadcast_in_dim3A_518 : vector<1x1xf32> to vector<1x128xf32>
      %ge3A_520 = arith.cmpf oge, %convert_element_type3A_466, %ge3A_519 : vector<1x128xf32>
      %convert_element_type3A_521 = arith.extui %ge3A_520 : vector<1x128xi1> to vector<1x128xi32>
      %convert_element_type3A_522 = arith.sitofp %convert_element_type3A_521 : vector<1x128xi32> to vector<1x128xf32>
      %add3A_523 = arith.addf %add3A_509, %convert_element_type3A_522 : vector<1x128xf32>
      %eq3A_524 = arith.constant 5 : i32
      %eq3A_525 = vector.broadcast %eq3A_524 : i32 to vector<1x8xi32>
      %eq3A_526 = arith.cmpi eq, %iota3A_272, %eq3A_525 : vector<1x8xi32>
      %convert_element_type3A_527 = arith.extui %eq3A_526 : vector<1x8xi1> to vector<1x8xi32>
      %convert_element_type3A_528 = arith.sitofp %convert_element_type3A_527 : vector<1x8xi32> to vector<1x8xf32>
      %mul3A_529 = arith.mulf %dot_general3A_268, %convert_element_type3A_528 : vector<1x8xf32>
      %reduce_sum3A_530 = arith.constant dense<0.000000e+00> : vector<1xf32>
      %reduce_sum3A_531 = vector.multi_reduction <add>, %mul3A_529, %reduce_sum3A_530 [1] : vector<1x8xf32> to vector<1xf32>
      %broadcast_in_dim3A_532 = vector.shape_cast %reduce_sum3A_531 : vector<1xf32> to vector<1x1xf32>
      %ge3A_533 = vector.broadcast %broadcast_in_dim3A_532 : vector<1x1xf32> to vector<1x128xf32>
      %ge3A_534 = arith.cmpf oge, %convert_element_type3A_466, %ge3A_533 : vector<1x128xf32>
      %convert_element_type3A_535 = arith.extui %ge3A_534 : vector<1x128xi1> to vector<1x128xi32>
      %convert_element_type3A_536 = arith.sitofp %convert_element_type3A_535 : vector<1x128xi32> to vector<1x128xf32>
      %add3A_537 = arith.addf %add3A_523, %convert_element_type3A_536 : vector<1x128xf32>
      %eq3A_538 = arith.constant 6 : i32
      %eq3A_539 = vector.broadcast %eq3A_538 : i32 to vector<1x8xi32>
      %eq3A_540 = arith.cmpi eq, %iota3A_272, %eq3A_539 : vector<1x8xi32>
      %convert_element_type3A_541 = arith.extui %eq3A_540 : vector<1x8xi1> to vector<1x8xi32>
      %convert_element_type3A_542 = arith.sitofp %convert_element_type3A_541 : vector<1x8xi32> to vector<1x8xf32>
      %mul3A_543 = arith.mulf %dot_general3A_268, %convert_element_type3A_542 : vector<1x8xf32>
      %reduce_sum3A_544 = arith.constant dense<0.000000e+00> : vector<1xf32>
      %reduce_sum3A_545 = vector.multi_reduction <add>, %mul3A_543, %reduce_sum3A_544 [1] : vector<1x8xf32> to vector<1xf32>
      %broadcast_in_dim3A_546 = vector.shape_cast %reduce_sum3A_545 : vector<1xf32> to vector<1x1xf32>
      %ge3A_547 = vector.broadcast %broadcast_in_dim3A_546 : vector<1x1xf32> to vector<1x128xf32>
      %ge3A_548 = arith.cmpf oge, %convert_element_type3A_466, %ge3A_547 : vector<1x128xf32>
      %convert_element_type3A_549 = arith.extui %ge3A_548 : vector<1x128xi1> to vector<1x128xi32>
      %convert_element_type3A_550 = arith.sitofp %convert_element_type3A_549 : vector<1x128xi32> to vector<1x128xf32>
      %add3A_551 = arith.addf %add3A_537, %convert_element_type3A_550 : vector<1x128xf32>
      %eq3A_552 = arith.constant 7 : i32
      %eq3A_553 = vector.broadcast %eq3A_552 : i32 to vector<1x8xi32>
      %eq3A_554 = arith.cmpi eq, %iota3A_272, %eq3A_553 : vector<1x8xi32>
      %convert_element_type3A_555 = arith.extui %eq3A_554 : vector<1x8xi1> to vector<1x8xi32>
      %convert_element_type3A_556 = arith.sitofp %convert_element_type3A_555 : vector<1x8xi32> to vector<1x8xf32>
      %mul3A_557 = arith.mulf %dot_general3A_268, %convert_element_type3A_556 : vector<1x8xf32>
      %reduce_sum3A_558 = arith.constant dense<0.000000e+00> : vector<1xf32>
      %reduce_sum3A_559 = vector.multi_reduction <add>, %mul3A_557, %reduce_sum3A_558 [1] : vector<1x8xf32> to vector<1xf32>
      %broadcast_in_dim3A_560 = vector.shape_cast %reduce_sum3A_559 : vector<1xf32> to vector<1x1xf32>
      %ge3A_561 = vector.broadcast %broadcast_in_dim3A_560 : vector<1x1xf32> to vector<1x128xf32>
      %ge3A_562 = arith.cmpf oge, %convert_element_type3A_466, %ge3A_561 : vector<1x128xf32>
      %convert_element_type3A_563 = arith.extui %ge3A_562 : vector<1x128xi1> to vector<1x128xi32>
      %convert_element_type3A_564 = arith.sitofp %convert_element_type3A_563 : vector<1x128xi32> to vector<1x128xf32>
      %add3A_565 = arith.addf %add3A_551, %convert_element_type3A_564 : vector<1x128xf32>
      %reduce_sum3A_566 = arith.constant dense<0.000000e+00> : vector<1xf32>
      %reduce_sum3A_567 = vector.multi_reduction <add>, %floor3A, %reduce_sum3A_566 [1] : vector<1x8xf32> to vector<1xf32>
      %broadcast_in_dim3A_568 = vector.shape_cast %reduce_sum3A_567 : vector<1xf32> to vector<1x1xf32>
      %eq3A_569 = arith.constant 11 : i32
      %eq3A_570 = vector.broadcast %eq3A_569 : i32 to vector<1x128xi32>
      %eq3A_571 = arith.cmpi eq, %iota3A_465, %eq3A_570 : vector<1x128xi32>
      %broadcast_in_dim3A_572 = vector.shape_cast %broadcast_in_dim3A_568 : vector<1x1xf32> to vector<1x1xf32>
      %broadcast_in_dim3A_573 = vector.broadcast %broadcast_in_dim3A_572 : vector<1x1xf32> to vector<1x128xf32>
      %select_n3A_574 = arith.select %eq3A_571, %broadcast_in_dim3A_573, %add3A_565 : vector<1x128xi1>, vector<1x128xf32>
      %convert_element_type3A_575 = arith.fptosi %select_n3A_574 : vector<1x128xf32> to vector<1x128xi32>
      %swap3A_576 = arith.constant 0 : index
      %swap3A_577 = arith.constant 0 : index
      %swap3A_578 = vector.load %arg5[%swap3A_576, %swap3A_577] : memref<1x128xi32, #tpu.memory_space<vmem>>, vector<1x128xi32>
      tpu.vector_store %arg5[%swap3A_576, %swap3A_577], %convert_element_type3A_575 {strides = array<i32>} : memref<1x128xi32, #tpu.memory_space<vmem>>, vector<1x128xi32>,
    } else {
    }
    return
  }
  func.func @transform_0(%arg0: i32) -> (i32, i32) {
    %c0_i32 = arith.constant 0 : i32
    %c0_i32_0 = arith.constant 0 : i32
    return %arg0, %c0_i32 : i32, i32
  }
  func.func @transform_1(%arg0: i32) -> (i32, i32) {
    %c0_i32 = arith.constant 0 : i32
    %c0_i32_0 = arith.constant 0 : i32
    %c0_i32_1 = arith.constant 0 : i32
    return %c0_i32, %c0_i32_0 : i32, i32
  }
  func.func @transform_2(%arg0: i32) -> (i32, i32) {
    %c0_i32 = arith.constant 0 : i32
    %c0_i32_0 = arith.constant 0 : i32
    %c0_i32_1 = arith.constant 0 : i32
    return %c0_i32, %c0_i32_0 : i32, i32
  }
  func.func @transform_3(%arg0: i32) -> (i32, i32) {
    %c0_i32 = arith.constant 0 : i32
    %c0_i32_0 = arith.constant 0 : i32
    %c0_i32_1 = arith.constant 0 : i32
    return %c0_i32, %c0_i32_0 : i32, i32
  }
  func.func @transform_4(%arg0: i32) -> (i32, i32) {
    %c0_i32 = arith.constant 0 : i32
    %c0_i32_0 = arith.constant 0 : i32
    %c0_i32_1 = arith.constant 0 : i32
    return %c0_i32, %c0_i32_0 : i32, i32
  }
}

</mosaic_0001>

<sc_bundles>
// kernel: kernel.6.cloned.1.call-start
scs
__scs_entry_jumppad:
0x0: {  	(pc) =	sbr.rel $0x88, $3  }
0x1: {  	(tag) =	ssettag $0x0;
	lr =	simm.s32 $0x1  }
0x2: {  	[smem:$0x3F9A] =	sst lr;
	_ =	strace $0xD0000000  }
0x3: {  	_ = 	snop  }
0x4: {  	_ = 	snop  }
0x5: {  	_ = 	snop  }
0x6: {  	_ = 	snop  }
0x7: {  	_ = 	snop  }
__scs_overlays_trampoline_lowered:
0x8: {  	[smem:$0x3FA9] =	sst s0  }
0x9: {  	[smem:$0x3FAA] =	sst s1  }
0xa: {  	[smem:$0x3FAB] =	sst s2  }
0xb: {  	[smem:$0x3FAC] =	sst s3  }
0xc: {  	[smem:$0x3FAD] =	sst s4  }
0xd: {  	[smem:$0x3FAE] =	sst s5  }
0xe: {  	[smem:$0x3FAF] =	sst s6  }
0xf: {  	[smem:$0x3FB0] =	sst s7  }
0x10: {  	[smem:$0x3FB1] =	sst s8  }
0x11: {  	[smem:$0x3FB2] =	sst s9;
	s0 =	simm.s32 @!p0 $0x0  }
0x12: {  	s1 =	sld [smem:$0x3F98];
	s0 =	simm.s32 @p0 $0x1  }
0x13: {  	[smem:$0x3FB3] =	sst s0;
	s0 =	simm.s32 @!p1 $0x0  }
0x14: {  	s2 =	sld [smem:$0x3F97];
	s0 =	simm.s32 @p1 $0x1  }
0x15: {  	[smem:$0x3FB4] =	sst s0;
	s0 =	simm.s32 @!p2 $0x0  }
0x16: {  	s3 =	sld [smem:$0x3FDB];
	s0 =	simm.s32 @p2 $0x1  }
0x17: {  	s4 =	simm.s32 $0x1BF5;
	[smem:$0x3FB6] =	sst s0  }
0x18: {  	s0 =	sld [smem:$0x3F99];
	_ =	swait.ge [sflag:s4], $0x0  }
0x19: {  	s7 =	sld [smem:$0x3F9A]  }
0x1a: {  	s8 =	sadd.s32 $0xFFFFE003, lr  }
0x1b: {  	s9 =	sadd.s32 $0xFFFFFEF7, lr;
	s5 =	simm.s32 $0xFFFFFFFF;
	p2 =	slt.u32 s8, $0xFFFFF086  }
0x1c: {  	p1 =	slt.u32 s9, $0xF7A;
	s5 =	simm.s32 @!p2 $0x0  }
0x1d: {  	s5 =	simm.s32 @p1 $0x1;
	p0 =	seq.s32 s7, s2  }
0x1e: {  	s7 =	smul.u32 @!p0 $0xF7A, s2;
	p2 =	seq.s32 @!p0 s5, $0x0  }
0x1f: {  	s9 =	smul.u32 $0xF7A, s1;
	s8 =	simm.s32 @!p0 $0x1BF5;
	p2 =	por !p2, p0  }
0x20: {  	[sflag:s8] =	ssyncset.s32 @!p0 $0xFFFFF086;
	s6 =	sadd.s32 @!p0 s3, s7;
	s7 =	simm.s32 @!p0 $0x108  }
0x21: {  	s3 =	sadd.s32 s3, s9;
	s6 =	sadd.s32 @!p0 $0x88, s6;
	s7 =	simm.s32 @p2 $0x1082  }
0x22: {  	[simem:s7], [sflag:s8] =	dma.local @!p0 [hbm:s6], $0xF7A  }
0x23: {  	s9 =	sor.u32 $0xD0000000, s2;
	s6 =	simm.s32 $0x108;
	_ =	swait.ge @!p0 [sflag:s8], $0x0  }
0x24: {  	s3 =	sadd.s32 $0x88, s3;
	s6 =	simm.s32 @!p1 $0x1082;
	[sflag:s4] =	ssyncset.s32 $0xFFFFF086  }
0x25: {  	[simem:s6], [sflag:s4] =	dma.local [hbm:s3], $0xF7A  }
0x26: {  	[smem:$0x3F9A] =	sst s1;
	(tag) =	ssettag s2;
	_ =	strace s9  }
0x27: {  	s1 =	sld [smem:$0x3FAA]  }
0x28: {  	s2 =	sld [smem:$0x3FAB]  }
0x29: {  	s4 =	sld [smem:$0x3FAD]  }
0x2a: {  	p0 =	seq.s32 s5, $0x0;
	s5 =	sld [smem:$0x3FAE]  }
0x2b: {  	s6 =	sld [smem:$0x3FAF]  }
0x2c: {  	s7 =	sld [smem:$0x3FB0]  }
0x2d: {  	s3 =	simm.s32 $0x108;
	s8 =	sld [smem:$0x3FB1]  }
0x2e: {  	s3 =	simm.s32 @!p0 $0x1082;
	s9 =	sld [smem:$0x3FB2]  }
0x2f: {  	lr =	sadd.s32 s0, s3;
	s0 =	sld [smem:$0x3FA9]  }
0x30: {  	s3 =	sld [smem:$0x3FAC]  }
0x31: {  	[smem:$0x3FB5] =	sst s10  }
0x32: {  	s10 =	sld [smem:$0x3FB3];
	_ =	sdelay $0x3  }
0x33: {  	p0 =	seq.s32 s10, $0x1;
	s10 =	sld [smem:$0x3FB5];
	_ =	sdelay $0x3  }
0x34: {  	[smem:$0x3FB5] =	sst s10  }
0x35: {  	s10 =	sld [smem:$0x3FB4];
	_ =	sdelay $0x3  }
0x36: {  	p1 =	seq.s32 s10, $0x1;
	s10 =	sld [smem:$0x3FB5];
	_ =	sdelay $0x3  }
0x37: {  	[smem:$0x3FB5] =	sst s10  }
0x38: {  	s10 =	sld [smem:$0x3FB6]  }
0x39: {  	_ = 	snop;
	(pc) =	sbr.ind lr, $3  }
0x3a: {  	_ = 	snop  }
0x3b: {  	_ = 	snop  }
0x3c: {  	p2 =	seq.s32 s10, $0x1;
	s10 =	sld [smem:$0x3FB5]  }
0x3d: {  	_ =	shalt  }
0x3e: {  	_ =	shalt  }
0x3f: {  	_ =	shalt  }
0x40: {  	_ =	shalt  }
0x41: {  	_ =	shalt  }
0x42: {  	_ =	shalt  }
0x43: {  	_ =	shalt  }
0x44: {  	_ =	shalt  }
0x45: {  	_ =	shalt  }
0x46: {  	_ =	shalt  }
0x47: {  	_ =	shalt  }
0x48: {  	_ =	shalt  }
0x49: {  	_ =	shalt  }
0x4a: {  	_ =	shalt  }
0x4b: {  	_ =	shalt  }
0x4c: {  	_ =	shalt  }
0x4d: {  	_ =	shalt  }
0x4e: {  	_ =	shalt  }
0x4f: {  	_ =	shalt  }
0x50: {  	_ =	shalt  }
0x51: {  	_ =	shalt  }
0x52: {  	_ =	shalt  }
0x53: {  	_ =	shalt  }
0x54: {  	_ =	shalt  }
0x55: {  	_ =	shalt  }
0x56: {  	_ =	shalt  }
0x57: {  	_ =	shalt  }
0x58: {  	_ =	shalt  }
0x59: {  	_ =	shalt  }
0x5a: {  	_ =	shalt  }
0x5b: {  	_ =	shalt  }
0x5c: {  	_ =	shalt  }
0x5d: {  	_ =	shalt  }
0x5e: {  	_ =	shalt  }
0x5f: {  	_ =	shalt  }
0x60: {  	_ =	shalt  }
0x61: {  	_ =	shalt  }
0x62: {  	_ =	shalt  }
0x63: {  	_ =	shalt  }
0x64: {  	_ =	shalt  }
0x65: {  	_ =	shalt  }
0x66: {  	_ =	shalt  }
0x67: {  	_ =	shalt  }
0x68: {  	_ =	shalt  }
0x69: {  	_ =	shalt  }
0x6a: {  	_ =	shalt  }
0x6b: {  	_ =	shalt  }
0x6c: {  	_ =	shalt  }
0x6d: {  	_ =	shalt  }
0x6e: {  	_ =	shalt  }
0x6f: {  	_ =	shalt  }
0x70: {  	_ =	shalt  }
0x71: {  	_ =	shalt  }
0x72: {  	_ =	shalt  }
0x73: {  	_ =	shalt  }
0x74: {  	_ =	shalt  }
0x75: {  	_ =	shalt  }
0x76: {  	_ =	shalt  }
0x77: {  	_ =	shalt  }
0x78: {  	_ =	shalt  }
0x79: {  	_ =	shalt  }
0x7a: {  	_ =	shalt  }
0x7b: {  	_ =	shalt  }
0x7c: {  	_ =	shalt  }
0x7d: {  	_ =	shalt  }
0x7e: {  	_ =	shalt  }
0x7f: {  	_ =	shalt  }
0x80: {  	_ =	shalt  }
0x81: {  	_ =	shalt  }
0x82: {  	_ =	shalt  }
0x83: {  	_ =	shalt  }
0x84: {  	_ =	shalt  }
0x85: {  	_ =	shalt  }
0x86: {  	_ =	shalt  }
0x87: {  	_ =	shalt  }
.Lfunc_end0:
.L_simem_size_0:
called_computation_lowered:
.L_overlay_start_0:
0x88: {  	s2 =	sld [smem:$0x3FD9]  }
0x89: {  	s3 =	sld [smem:$0x3FFE];
	_ =	sdelay $0x1  }
0x8a: {  	s1 =	srdreg.scid  }
0x8b: {  	s0 =	sand.u32 $0x1, s1  }
0x8c: {  	s17 =	sshll.u32 s0, $0xA;
	s2 =	sadd.s32 s3, s2  }
0x8d: {  	s2 =	sadd.s32 s2, s17  }
0x8e: {  	[smem:$0x3FC1] =	sst s2  }
0x8f: {  	_ = 	snop  }
0x90: {  	s2 =	sld [smem:$0x3FC9];
	(tm) =	ssettm $0x1  }
0x91: {  	s18 =	sld [smem:$0x3FFB];
	_ =	sdelay $0x3  }
0x92: {  	_ =	strace s18  }
0x93: {  	s3 =	sld [smem:$0x3FFC];
	_ =	sdelay $0x3  }
0x94: {  	_ =	strace s3  }
0x95: {  	s3 =	sld [smem:$0x3FFD];
	_ =	sdelay $0x3  }
0x96: {  	_ =	strace s3  }
0x97: {  	_ =	strace $0x8FFFFFFF  }
0x98: {  	s19 =	sld [smem:$0x3FDB];
	_ =	sdelay $0x1  }
0x99: {  	s4 =	simm.s32 $_scs_section_size  }
0x9a: {  	s5 =	simm.s32 $_size__tile_overlayer_lowered;
	s6 =	simm.s32 $_tile_overlayer_lowered  }
0x9b: {  	s22 =	simm.s32 $0x1BFF;
	s21 =	sshll.u32 s6, $0x1;
	s3 =	sadd.s32 s4, s19  }
0x9c: {  	s7 =	simm.s32 $0x0;
	s20 =	sshll.u32 s5, $0x1;
	s5 =	sadd.s32 s21, s3  }
0x9d: {  	[timem:s7], [sflag:s22] =	dma.local [hbm:s5], s20  }
0x9e: {  	_ =	swait.ge [sflag:s22], s20  }
0x9f: {  	s4 =	ssub.s32 $0x0, s20;
	[sflag:s22] =	ssyncset.done $0x0  }
0xa0: {  	[sflag:s22] =	ssyncadd.s32 s4;
	_ =	sdelay $0x1  }
0xa1: {  	s23 =	simm.s32 $0x1B8B  }
0xa2: {  	_ =	swait.ge [sflag:s23], $0x1  }
0xa3: {  	[sflag:s23] =	ssyncset.done $0x0  }
0xa4: {  	s25 =	simm.s32 $0x1B8E;
	s24 =	sld [smem:$0x3FFE];
	[sflag:s23] =	ssyncadd.s32 $0xFFFFFFFF  }
0xa5: {  	s26 =	simm.s32 $execute0_lowered;
	[smem:$0x3FD2] =	sst s25  }
0xa6: {  	s5 =	sshll.u32 s26, $0x1;
	_ =	strace $0x80000046;
	[dreg:$0x1] =	wrdreg $0xFFFFFFFF  }
0xa7: {  	s28 =	simm.s32 $_size_execute0_lowered;
	s3 =	sadd.s32 s3, s5;
	[dreg:$0x0] =	wrdreg $0x0  }
0xa8: {  	s5 =	sshll.u32 s28, $0x1;
	[dreg:$0x2] =	wrdreg s3  }
0xa9: {  	[dreg:$0x3] =	wrdreg s5  }
0xaa: {  	[dreg:$0x4] =	wrdreg $0xC0  }
0xab: {  	_ =	task [dreg:s7], $0x5FFFF  }
0xac: {  	[dreg:$0x1] =	wrdreg $0xFFFFFFFF  }
0xad: {  	[dreg:$0x0] =	wrdreg $0x60  }
0xae: {  	[dreg:$0x2] =	wrdreg s2  }
0xaf: {  	[dreg:$0x3] =	wrdreg s24  }
0xb0: {  	[dreg:$0x4] =	wrdreg $0x9  }
0xb1: {  	_ =	task.clear_ibuf [dreg:s7], $0x5FFFF;
	_ =	strace $0x90000046  }
0xb2: {  	s29 =	simm.s32 $0x9;
	_ =	strace $0x80000048  }
0xb3: {  	_ =	swait.ge [sflag:s29], $0x1  }
0xb4: {  	[sflag:s29] =	ssyncadd.s32 $0xFFFFFFFF  }
0xb5: {  	_ =	strace $0x90000048  }
0xb6: {  	_ =	sfence  }
0xb7: {  	s30 =	sld [smem:$0x0];
	_ =	sdelay $0x2  }
0xb8: {  	s31 =	sshll.u32 s1, $0xD;
	s1 =	sshrl.u32 s1, $0x2  }
0xb9: {  	s3 =	sand.u32 $0x4000, s31;
	s1 =	sadd.s32 s1, s30  }
0xba: {  	s0 =	sor.u32 s3, s0;
	s1 =	sshll.u32 s1, $0x11  }
0xbb: {  	s0 =	sor.u32 s1, s0  }
0xbc: {  	s0 =	sadd.s32 $0x8F2B, s0  }
0xbd: {  	[sflag:s0] =	ssyncadd.remote.s32 $0x1  }
0xbe: {  	_ =	sfence.sel $0xFFFF  }
0xbf: {  	[dreg:$0x0] =	wrdreg $0xFFFFFFFF;
	(pc) =	sbr.abs _section_cstart, $3  }
0xc0: {  	[dreg:$0x1] =	wrdreg $0xFFFFFFFF  }
0xc1: {  	_ =	task.clear_ibuf [dreg:s7], $0x2FFFF;
	_ =	strace $0x9FFFFFFF  }
0xc2: {  	(tm) =	ssettm $0x7FFFFFFF  }
0xc3: {  	_ =	shalt  }
tec
execute0_lowered:
.L_overlay_start_1:
0x0: {  	(tag) =	ssettag $0x1  }
0x1: {  	s1 =	srdreg.scid  }
0x2: {  	s3 =	rddreg [dreg:$0x0];
	s0 =	stileid.u32  }
0x3: {  	s5 =	rddreg [dreg:$0x1];
	s2 =	simm.s32 $0x0;
	s8 =	simm.s32 $0x80  }
0x4: {  	s26 =	simm.s32 $0x880;
	s9 =	simm.s32 $0x1080;
	s10 =	simm.s32 $0x1880  }
0x5: {  	s11 =	simm.s32 $0x2080;
	s12 =	simm.s32 $0x2880;
	s13 =	simm.s32 $0x3080  }
0x6: {  	s14 =	simm.s32 $0x3880;
	s15 =	simm.s32 $0x4080;
	s16 =	simm.s32 $0x4880  }
0x7: {  	s17 =	simm.s32 $0x5080;
	s18 =	simm.s32 $0x5880;
	s19 =	simm.s32 $0x6080  }
0x8: {  	s20 =	simm.s32 $0x6880;
	s21 =	simm.s32 $0x7080;
	s22 =	simm.s32 $0x7880  }
0x9: {  	s23 =	simm.s32 $0x8080;
	s24 =	simm.s32 $0x8880;
	s25 =	simm.s32 $0x9080  }
0xa: {  	s28 =	simm.s32 $0xA080;
	s29 =	simm.s32 $0xA880;
	s30 =	simm.s32 $0xB080  }
0xb: {  	s31 =	simm.s32 $0xB880;
	s1 =	sand.u32 $0x1, s1;
	[smem:$0x7FF] =	sst s2  }
0xc: {  	s4 =	sshll.u32 s0, $0x4;
	s6 =	sshll.u32 s1, $0x3;
	_ =	strace $0x80000047  }
0xd: {  	s1 =	ssub.s32 $0x2, s1;
	[dreg:$0x5] =	wrdreg s26;
	s4 =	sor.u32 s6, s4  }
0xe: {  	s7 =	sshrl.u32 s1, $0x1;
	s6 =	sadd.s32 s4, s5;
	s4 =	smul.u32 $0x300, s4  }
0xf: {  	s26 =	simm.s32 $0x9880;
	s1 =	ssub.s32 s1, s7;
	s6 =	sadd.s32 $0x1800, s6  }
0x10: {  	v2 =	vlaneseq.u32;
	s7 =	simm.s32 $0x2;
	[dreg:$0x3] =	wrdreg s6;
	s4 =	sadd.s32 s3, s4  }
0x11: {  	vm0 =	vmmov $0xffff;
	v1 =	vshrl.u32 v2, $0x3;
	s3 =	sadd.s32 $0x1A00, s5;
	s6 =	smax.u32 s1, $0x1;
	s1 =	simm.s32 $0x1  }
0x12: {  	v0 =	vand.u32 $0x7, v2;
	v2 =	vor.u32 $0x8, v2;
	v1 =	vmul.u32 $0x8, v1;
	[dreg:$0x4] =	wrdreg s4;
	s4 =	sadd.s32 $0x1B00, s5;
	s5 =	sadd.s32 $0x1C00, s5  }
.LBB2_1:
0x13: {  	s0 =	rddreg [dreg:$0x3]  }
0x14: {  	[tilespmem:s2], [sflag:$0x2] =	stream.linear.gather [hbm4b:s0+s2], $0x40, $0x38;
	[tilespmem:$0xC080] =	vst v63  }
0x15: {  	_ =	swait.ge [sflag:s7], $0x40  }
0x16: {  	[sflag:s7] =	ssyncset.done $0x0  }
0x17: {  	s0 =	rddreg [dreg:$0x4];
	[sflag:s7] =	ssyncadd.s32 $0xFFFFFFC0  }
0x18: {  	[tilespmem:s8], [sflag:$0x2] =	stream.linear.gather [hbm4b:s0+s2], $0xC000, $0x38;
	[tilespmem:$0xC080] =	vst v63  }
0x19: {  	_ =	swait.ge [sflag:s7], $0xC000  }
0x1a: {  	[sflag:s7] =	ssyncset.done $0x0  }
0x1b: {  	[sflag:s7] =	ssyncadd.s32 $0xFFFF4000  }
0x1c: {  	v3 =	vld [tilespmem:$0x0];
	_ =	sdelay $0x4  }
0x1d: {  	v4 =	vshrl.u32 v3, $0x3  }
0x1e: {  	v4 =	vmul.u32 $0x30, v4  }
0x1f: {  	v3 =	vand.u32 $0x7, v3  }
0x20: {  	v3 =	vor.u32 v3, v4  }
0x21: {  	v4 =	vperm.xlane v3, v0;
	_ =	sdelay $0x1  }
0x22: {  	v4 =	vadd.s32 v1, v4;
	_ =	sdelay $0x3  }
0x23: {  	v3 =	vperm.xlane v3, v2  }
0x24: {  	[hbm4b:s3+s2] =	stream.indirect_vreg.scatter [tilespmem:s8], [sflag:$0x1], $0x80, v4, vm0, $0xb8;
	[tilespmem:$0xC080] =	vst v63  }
0x25: {  	s0 =	rddreg [dreg:$0x5];
	v3 =	vadd.s32 v1, v3  }
0x26: {  	[hbm4b:s4+s2] =	stream.indirect_vreg.scatter [tilespmem:s0], [sflag:$0x1], $0x80, v4, vm0, $0xb8;
	[tilespmem:$0xC080] =	vst v63  }
0x27: {  	_ = 	snop  }
0x28: {  	[hbm4b:s5+s2] =	stream.indirect_vreg.scatter [tilespmem:s9], [sflag:$0x1], $0x80, v4, vm0, $0xb8;
	[tilespmem:$0xC080] =	vst v63  }
0x29: {  	_ = 	snop  }
0x2a: {  	[hbm4b:s3+s2] =	stream.indirect_vreg.scatter [tilespmem:s10], [sflag:$0x1], $0x80, v3, vm0, $0xb8;
	[tilespmem:$0xC080] =	vst v63  }
0x2b: {  	_ = 	snop  }
0x2c: {  	[hbm4b:s4+s2] =	stream.indirect_vreg.scatter [tilespmem:s11], [sflag:$0x1], $0x80, v3, vm0, $0xb8;
	[tilespmem:$0xC080] =	vst v63  }
0x2d: {  	_ = 	snop  }
0x2e: {  	[hbm4b:s5+s2] =	stream.indirect_vreg.scatter [tilespmem:s12], [sflag:$0x1], $0x80, v3, vm0, $0xb8;
	[tilespmem:$0xC080] =	vst v63  }
0x2f: {  	v3 =	vld [tilespmem:$0x10];
	_ =	sdelay $0x4  }
0x30: {  	v61 =	vshrl.u32 v3, $0x3  }
0x31: {  	v4 =	vmul.u32 $0x30, v61  }
0x32: {  	v3 =	vand.u32 $0x7, v3  }
0x33: {  	v3 =	vor.u32 v3, v4  }
0x34: {  	v4 =	vperm.xlane v3, v0;
	_ =	sdelay $0x1  }
0x35: {  	v4 =	vadd.s32 v1, v4;
	_ =	sdelay $0x3  }
0x36: {  	v3 =	vperm.xlane v3, v2  }
0x37: {  	[hbm4b:s3+s2] =	stream.indirect_vreg.scatter [tilespmem:s13], [sflag:$0x1], $0x80, v4, vm0, $0xb8;
	[tilespmem:$0xC080] =	vst v63  }
0x38: {  	v3 =	vadd.s32 v1, v3  }
0x39: {  	[hbm4b:s4+s2] =	stream.indirect_vreg.scatter [tilespmem:s14], [sflag:$0x1], $0x80, v4, vm0, $0xb8;
	[tilespmem:$0xC080] =	vst v63  }
0x3a: {  	_ = 	snop  }
0x3b: {  	[hbm4b:s5+s2] =	stream.indirect_vreg.scatter [tilespmem:s15], [sflag:$0x1], $0x80, v4, vm0, $0xb8;
	[tilespmem:$0xC080] =	vst v63  }
0x3c: {  	_ = 	snop  }
0x3d: {  	[hbm4b:s3+s2] =	stream.indirect_vreg.scatter [tilespmem:s16], [sflag:$0x1], $0x80, v3, vm0, $0xb8;
	[tilespmem:$0xC080] =	vst v63  }
0x3e: {  	_ = 	snop  }
0x3f: {  	[hbm4b:s4+s2] =	stream.indirect_vreg.scatter [tilespmem:s17], [sflag:$0x1], $0x80, v3, vm0, $0xb8;
	[tilespmem:$0xC080] =	vst v63  }
0x40: {  	_ = 	snop  }
0x41: {  	[hbm4b:s5+s2] =	stream.indirect_vreg.scatter [tilespmem:s18], [sflag:$0x1], $0x80, v3, vm0, $0xb8;
	[tilespmem:$0xC080] =	vst v63  }
0x42: {  	v3 =	vld [tilespmem:$0x20];
	_ =	sdelay $0x4  }
0x43: {  	v62 =	vshrl.u32 v3, $0x3  }
0x44: {  	v4 =	vmul.u32 $0x30, v62  }
0x45: {  	v3 =	vand.u32 $0x7, v3  }
0x46: {  	v3 =	vor.u32 v3, v4  }
0x47: {  	v4 =	vperm.xlane v3, v0;
	_ =	sdelay $0x1  }
0x48: {  	v4 =	vadd.s32 v1, v4;
	_ =	sdelay $0x3  }
0x49: {  	v3 =	vperm.xlane v3, v2  }
0x4a: {  	[hbm4b:s3+s2] =	stream.indirect_vreg.scatter [tilespmem:s19], [sflag:$0x1], $0x80, v4, vm0, $0xb8;
	[tilespmem:$0xC080] =	vst v63  }
0x4b: {  	v3 =	vadd.s32 v1, v3  }
0x4c: {  	[hbm4b:s4+s2] =	stream.indirect_vreg.scatter [tilespmem:s20], [sflag:$0x1], $0x80, v4, vm0, $0xb8;
	[tilespmem:$0xC080] =	vst v63  }
0x4d: {  	_ = 	snop  }
0x4e: {  	[hbm4b:s5+s2] =	stream.indirect_vreg.scatter [tilespmem:s21], [sflag:$0x1], $0x80, v4, vm0, $0xb8;
	[tilespmem:$0xC080] =	vst v63  }
0x4f: {  	_ = 	snop  }
0x50: {  	[hbm4b:s3+s2] =	stream.indirect_vreg.scatter [tilespmem:s22], [sflag:$0x1], $0x80, v3, vm0, $0xb8;
	[tilespmem:$0xC080] =	vst v63  }
0x51: {  	_ = 	snop  }
0x52: {  	[hbm4b:s4+s2] =	stream.indirect_vreg.scatter [tilespmem:s23], [sflag:$0x1], $0x80, v3, vm0, $0xb8;
	[tilespmem:$0xC080] =	vst v63  }
0x53: {  	_ = 	snop  }
0x54: {  	[hbm4b:s5+s2] =	stream.indirect_vreg.scatter [tilespmem:s24], [sflag:$0x1], $0x80, v3, vm0, $0xb8;
	[tilespmem:$0xC080] =	vst v63  }
0x55: {  	v3 =	vld [tilespmem:$0x30];
	_ =	sdelay $0x4  }
0x56: {  	v63 =	vshrl.u32 v3, $0x3  }
0x57: {  	v4 =	vmul.u32 $0x30, v63  }
0x58: {  	v3 =	vand.u32 $0x7, v3  }
0x59: {  	v3 =	vor.u32 v3, v4  }
0x5a: {  	v4 =	vperm.xlane v3, v0;
	_ =	sdelay $0x1  }
0x5b: {  	v4 =	vadd.s32 v1, v4;
	_ =	sdelay $0x3  }
0x5c: {  	v3 =	vperm.xlane v3, v2  }
0x5d: {  	[hbm4b:s3+s2] =	stream.indirect_vreg.scatter [tilespmem:s25], [sflag:$0x1], $0x80, v4, vm0, $0xb8;
	[tilespmem:$0xC080] =	vst v63  }
0x5e: {  	v3 =	vadd.s32 v1, v3  }
0x5f: {  	[hbm4b:s4+s2] =	stream.indirect_vreg.scatter [tilespmem:s26], [sflag:$0x1], $0x80, v4, vm0, $0xb8;
	[tilespmem:$0xC080] =	vst v63  }
0x60: {  	_ = 	snop  }
0x61: {  	[hbm4b:s5+s2] =	stream.indirect_vreg.scatter [tilespmem:s28], [sflag:$0x1], $0x80, v4, vm0, $0xb8;
	[tilespmem:$0xC080] =	vst v63  }
0x62: {  	_ = 	snop  }
0x63: {  	[hbm4b:s3+s2] =	stream.indirect_vreg.scatter [tilespmem:s29], [sflag:$0x1], $0x80, v3, vm0, $0xb8;
	[tilespmem:$0xC080] =	vst v63  }
0x64: {  	p0 =	sne.s32 s6, $0x1  }
0x65: {  	[hbm4b:s4+s2] =	stream.indirect_vreg.scatter [tilespmem:s30], [sflag:$0x1], $0x80, v3, vm0, $0xb8;
	[tilespmem:$0xC080] =	vst v63  }
.Ltmp0:
0x66: {  	_ = 	snop;
	(pc) =	sbr.rel @p0 .LBB2_1-.Ltmp0, $4  }
0x67: {  	[hbm4b:s5+s2] =	stream.indirect_vreg.scatter [tilespmem:s31], [sflag:$0x1], $0x80, v3, vm0, $0xb8;
	[tilespmem:$0xC080] =	vst v63  }
0x68: {  	_ =	swait.ge [sflag:s1], $0xC000  }
0x69: {  	[sflag:s1] =	ssyncset.done $0x0  }
0x6a: {  	s6 =	sadd.s32 $0xFFFFFFFF, s6;
	[sflag:s1] =	ssyncadd.s32 $0xFFFF4000  }
0x6b: {  	_ =	sfence.sel $0x180000  }
0x6c: {  	[bflag:$0x0] =	sbarrier.arrive $0xFFFF  }
0x6d: {  	_ =	strace $0x90000047  }
0x6e: {  	s0 =	stileid.u32;
	[bflag:$0x2] =	sbarrier.arrive $0xFFFF  }
0x6f: {  	p0 =	sne.s32 s0, $0x0;
	s0 =	rddreg [dreg:$0x2]  }
0x70: {  	s0 =	sadd.s32 @!p0 $0x100000, s0  }
0x71: {  	[sflag:s0] =	ssyncadd.tile.s32 @!p0 $0x1;
	_ =	shalt  }
.Lfunc_end2:
_tile_overlayer_lowered:
.L_overlay_start_2:
0x72: {  	(tag) =	ssettag $0x2  }
0x73: {  	s0 =	rddreg [dreg:$0x0];
	s2 =	stileid.u32  }
0x74: {  	s1 =	rddreg [dreg:$0x1];
	p0 =	sne.s32 s2, $0x0  }
0x75: {  	s3 =	rddreg [dreg:$0x2];
	[bflag:$0x3] =	sbarrier.arrive $0xFFFF;
	s2 =	simm.s32 @!p0 $0x1C02  }
0x76: {  	[timem:s3], [sflag:s2] =	dma.local @!p0 [hbm:s0], s1  }
0x77: {  	s0 =	simm.s32 @!p0 $0x2  }
0x78: {  	_ =	swait.ge @!p0 [sflag:s0], s1  }
0x79: {  	s1 =	ssub.s32 @!p0 $0x0, s1;
	[sflag:s0] =	ssyncset.done @!p0 $0x0  }
0x7a: {  	[sflag:s0] =	ssyncadd.s32 @!p0 s1  }
0x7b: {  	[bflag:$0x3] =	sbarrier.arrive $0xFFFF  }
0x7c: {  	_ =	shalt  }

// kernel: kernel.9.cloned.1.call-start
scs
__scs_entry_jumppad:
0x0: {  	(pc) =	sbr.rel $0x88, $3  }
0x1: {  	(tag) =	ssettag $0x0;
	lr =	simm.s32 $0x1  }
0x2: {  	[smem:$0x3F9A] =	sst lr;
	_ =	strace $0xD0000000  }
0x3: {  	_ = 	snop  }
0x4: {  	_ = 	snop  }
0x5: {  	_ = 	snop  }
0x6: {  	_ = 	snop  }
0x7: {  	_ = 	snop  }
__scs_overlays_trampoline_lowered:
0x8: {  	[smem:$0x3FA9] =	sst s0  }
0x9: {  	[smem:$0x3FAA] =	sst s1  }
0xa: {  	[smem:$0x3FAB] =	sst s2  }
0xb: {  	[smem:$0x3FAC] =	sst s3  }
0xc: {  	[smem:$0x3FAD] =	sst s4  }
0xd: {  	[smem:$0x3FAE] =	sst s5  }
0xe: {  	[smem:$0x3FAF] =	sst s6  }
0xf: {  	[smem:$0x3FB0] =	sst s7  }
0x10: {  	[smem:$0x3FB1] =	sst s8  }
0x11: {  	[smem:$0x3FB2] =	sst s9;
	s0 =	simm.s32 @!p0 $0x0  }
0x12: {  	s1 =	sld [smem:$0x3F98];
	s0 =	simm.s32 @p0 $0x1  }
0x13: {  	[smem:$0x3FB3] =	sst s0;
	s0 =	simm.s32 @!p1 $0x0  }
0x14: {  	s2 =	sld [smem:$0x3F97];
	s0 =	simm.s32 @p1 $0x1  }
0x15: {  	[smem:$0x3FB4] =	sst s0;
	s0 =	simm.s32 @!p2 $0x0  }
0x16: {  	s3 =	sld [smem:$0x3FDB];
	s0 =	simm.s32 @p2 $0x1  }
0x17: {  	s4 =	simm.s32 $0x1BF5;
	[smem:$0x3FB6] =	sst s0  }
0x18: {  	s0 =	sld [smem:$0x3F99];
	_ =	swait.ge [sflag:s4], $0x0  }
0x19: {  	s7 =	sld [smem:$0x3F9A]  }
0x1a: {  	s8 =	sadd.s32 $0xFFFFE003, lr  }
0x1b: {  	s9 =	sadd.s32 $0xFFFFFEF7, lr;
	s5 =	simm.s32 $0xFFFFFFFF;
	p2 =	slt.u32 s8, $0xFFFFF086  }
0x1c: {  	p1 =	slt.u32 s9, $0xF7A;
	s5 =	simm.s32 @!p2 $0x0  }
0x1d: {  	s5 =	simm.s32 @p1 $0x1;
	p0 =	seq.s32 s7, s2  }
0x1e: {  	s7 =	smul.u32 @!p0 $0xF7A, s2;
	p2 =	seq.s32 @!p0 s5, $0x0  }
0x1f: {  	s9 =	smul.u32 $0xF7A, s1;
	s8 =	simm.s32 @!p0 $0x1BF5;
	p2 =	por !p2, p0  }
0x20: {  	[sflag:s8] =	ssyncset.s32 @!p0 $0xFFFFF086;
	s6 =	sadd.s32 @!p0 s3, s7;
	s7 =	simm.s32 @!p0 $0x108  }
0x21: {  	s3 =	sadd.s32 s3, s9;
	s6 =	sadd.s32 @!p0 $0x88, s6;
	s7 =	simm.s32 @p2 $0x1082  }
0x22: {  	[simem:s7], [sflag:s8] =	dma.local @!p0 [hbm:s6], $0xF7A  }
0x23: {  	s9 =	sor.u32 $0xD0000000, s2;
	s6 =	simm.s32 $0x108;
	_ =	swait.ge @!p0 [sflag:s8], $0x0  }
0x24: {  	s3 =	sadd.s32 $0x88, s3;
	s6 =	simm.s32 @!p1 $0x1082;
	[sflag:s4] =	ssyncset.s32 $0xFFFFF086  }
0x25: {  	[simem:s6], [sflag:s4] =	dma.local [hbm:s3], $0xF7A  }
0x26: {  	[smem:$0x3F9A] =	sst s1;
	(tag) =	ssettag s2;
	_ =	strace s9  }
0x27: {  	s1 =	sld [smem:$0x3FAA]  }
0x28: {  	s2 =	sld [smem:$0x3FAB]  }
0x29: {  	s4 =	sld [smem:$0x3FAD]  }
0x2a: {  	p0 =	seq.s32 s5, $0x0;
	s5 =	sld [smem:$0x3FAE]  }
0x2b: {  	s6 =	sld [smem:$0x3FAF]  }
0x2c: {  	s7 =	sld [smem:$0x3FB0]  }
0x2d: {  	s3 =	simm.s32 $0x108;
	s8 =	sld [smem:$0x3FB1]  }
0x2e: {  	s3 =	simm.s32 @!p0 $0x1082;
	s9 =	sld [smem:$0x3FB2]  }
0x2f: {  	lr =	sadd.s32 s0, s3;
	s0 =	sld [smem:$0x3FA9]  }
0x30: {  	s3 =	sld [smem:$0x3FAC]  }
0x31: {  	[smem:$0x3FB5] =	sst s10  }
0x32: {  	s10 =	sld [smem:$0x3FB3];
	_ =	sdelay $0x3  }
0x33: {  	p0 =	seq.s32 s10, $0x1;
	s10 =	sld [smem:$0x3FB5];
	_ =	sdelay $0x3  }
0x34: {  	[smem:$0x3FB5] =	sst s10  }
0x35: {  	s10 =	sld [smem:$0x3FB4];
	_ =	sdelay $0x3  }
0x36: {  	p1 =	seq.s32 s10, $0x1;
	s10 =	sld [smem:$0x3FB5];
	_ =	sdelay $0x3  }
0x37: {  	[smem:$0x3FB5] =	sst s10  }
0x38: {  	s10 =	sld [smem:$0x3FB6]  }
0x39: {  	_ = 	snop;
	(pc) =	sbr.ind lr, $3  }
0x3a: {  	_ = 	snop  }
0x3b: {  	_ = 	snop  }
0x3c: {  	p2 =	seq.s32 s10, $0x1;
	s10 =	sld [smem:$0x3FB5]  }
0x3d: {  	_ =	shalt  }
0x3e: {  	_ =	shalt  }
0x3f: {  	_ =	shalt  }
0x40: {  	_ =	shalt  }
0x41: {  	_ =	shalt  }
0x42: {  	_ =	shalt  }
0x43: {  	_ =	shalt  }
0x44: {  	_ =	shalt  }
0x45: {  	_ =	shalt  }
0x46: {  	_ =	shalt  }
0x47: {  	_ =	shalt  }
0x48: {  	_ =	shalt  }
0x49: {  	_ =	shalt  }
0x4a: {  	_ =	shalt  }
0x4b: {  	_ =	shalt  }
0x4c: {  	_ =	shalt  }
0x4d: {  	_ =	shalt  }
0x4e: {  	_ =	shalt  }
0x4f: {  	_ =	shalt  }
0x50: {  	_ =	shalt  }
0x51: {  	_ =	shalt  }
0x52: {  	_ =	shalt  }
0x53: {  	_ =	shalt  }
0x54: {  	_ =	shalt  }
0x55: {  	_ =	shalt  }
0x56: {  	_ =	shalt  }
0x57: {  	_ =	shalt  }
0x58: {  	_ =	shalt  }
0x59: {  	_ =	shalt  }
0x5a: {  	_ =	shalt  }
0x5b: {  	_ =	shalt  }
0x5c: {  	_ =	shalt  }
0x5d: {  	_ =	shalt  }
0x5e: {  	_ =	shalt  }
0x5f: {  	_ =	shalt  }
0x60: {  	_ =	shalt  }
0x61: {  	_ =	shalt  }
0x62: {  	_ =	shalt  }
0x63: {  	_ =	shalt  }
0x64: {  	_ =	shalt  }
0x65: {  	_ =	shalt  }
0x66: {  	_ =	shalt  }
0x67: {  	_ =	shalt  }
0x68: {  	_ =	shalt  }
0x69: {  	_ =	shalt  }
0x6a: {  	_ =	shalt  }
0x6b: {  	_ =	shalt  }
0x6c: {  	_ =	shalt  }
0x6d: {  	_ =	shalt  }
0x6e: {  	_ =	shalt  }
0x6f: {  	_ =	shalt  }
0x70: {  	_ =	shalt  }
0x71: {  	_ =	shalt  }
0x72: {  	_ =	shalt  }
0x73: {  	_ =	shalt  }
0x74: {  	_ =	shalt  }
0x75: {  	_ =	shalt  }
0x76: {  	_ =	shalt  }
0x77: {  	_ =	shalt  }
0x78: {  	_ =	shalt  }
0x79: {  	_ =	shalt  }
0x7a: {  	_ =	shalt  }
0x7b: {  	_ =	shalt  }
0x7c: {  	_ =	shalt  }
0x7d: {  	_ =	shalt  }
0x7e: {  	_ =	shalt  }
0x7f: {  	_ =	shalt  }
0x80: {  	_ =	shalt  }
0x81: {  	_ =	shalt  }
0x82: {  	_ =	shalt  }
0x83: {  	_ =	shalt  }
0x84: {  	_ =	shalt  }
0x85: {  	_ =	shalt  }
0x86: {  	_ =	shalt  }
0x87: {  	_ =	shalt  }
.Lfunc_end0:
.L_simem_size_0:
called_computation.1_lowered:
.L_overlay_start_0:
0x88: {  	s2 =	sld [smem:$0x3FD9]  }
0x89: {  	s3 =	sld [smem:$0x3FFE];
	_ =	sdelay $0x1  }
0x8a: {  	s1 =	srdreg.scid  }
0x8b: {  	s0 =	sand.u32 $0x1, s1  }
0x8c: {  	s17 =	sshll.u32 s0, $0xA;
	s2 =	sadd.s32 s3, s2  }
0x8d: {  	s2 =	sadd.s32 s2, s17  }
0x8e: {  	[smem:$0x3FC1] =	sst s2  }
0x8f: {  	_ = 	snop  }
0x90: {  	s2 =	sld [smem:$0x3FD0];
	(tm) =	ssettm $0x1  }
0x91: {  	s18 =	sld [smem:$0x3FFB];
	_ =	sdelay $0x3  }
0x92: {  	_ =	strace s18  }
0x93: {  	s3 =	sld [smem:$0x3FFC];
	_ =	sdelay $0x3  }
0x94: {  	_ =	strace s3  }
0x95: {  	s3 =	sld [smem:$0x3FFD];
	_ =	sdelay $0x3  }
0x96: {  	_ =	strace s3  }
0x97: {  	_ =	strace $0x8FFFFFFF  }
0x98: {  	s19 =	sld [smem:$0x3FDB];
	_ =	sdelay $0x1  }
0x99: {  	s4 =	simm.s32 $_scs_section_size  }
0x9a: {  	s5 =	simm.s32 $_size__tile_overlayer_lowered;
	s6 =	simm.s32 $_tile_overlayer_lowered  }
0x9b: {  	s22 =	simm.s32 $0x1BFF;
	s21 =	sshll.u32 s6, $0x1;
	s3 =	sadd.s32 s4, s19  }
0x9c: {  	s7 =	simm.s32 $0x0;
	s20 =	sshll.u32 s5, $0x1;
	s5 =	sadd.s32 s21, s3  }
0x9d: {  	[timem:s7], [sflag:s22] =	dma.local [hbm:s5], s20  }
0x9e: {  	_ =	swait.ge [sflag:s22], s20  }
0x9f: {  	s4 =	ssub.s32 $0x0, s20;
	[sflag:s22] =	ssyncset.done $0x0  }
0xa0: {  	[sflag:s22] =	ssyncadd.s32 s4;
	_ =	sdelay $0x1  }
0xa1: {  	s23 =	simm.s32 $0x1B8B  }
0xa2: {  	_ =	swait.ge [sflag:s23], $0x1  }
0xa3: {  	[sflag:s23] =	ssyncset.done $0x0  }
0xa4: {  	s25 =	simm.s32 $0x1B8E;
	s24 =	sld [smem:$0x3FFE];
	[sflag:s23] =	ssyncadd.s32 $0xFFFFFFFF  }
0xa5: {  	s26 =	simm.s32 $execute0_lowered;
	[smem:$0x3FD2] =	sst s25  }
0xa6: {  	s5 =	sshll.u32 s26, $0x1;
	_ =	strace $0x80000049;
	[dreg:$0x1] =	wrdreg $0xFFFFFFFF  }
0xa7: {  	s28 =	simm.s32 $_size_execute0_lowered;
	s3 =	sadd.s32 s3, s5;
	[dreg:$0x0] =	wrdreg $0x0  }
0xa8: {  	s5 =	sshll.u32 s28, $0x1;
	[dreg:$0x2] =	wrdreg s3  }
0xa9: {  	[dreg:$0x3] =	wrdreg s5  }
0xaa: {  	[dreg:$0x4] =	wrdreg $0xC0  }
0xab: {  	_ =	task [dreg:s7], $0x5FFFF  }
0xac: {  	[dreg:$0x1] =	wrdreg $0xFFFFFFFF  }
0xad: {  	[dreg:$0x0] =	wrdreg $0x60  }
0xae: {  	[dreg:$0x2] =	wrdreg s24  }
0xaf: {  	[dreg:$0x3] =	wrdreg s2  }
0xb0: {  	[dreg:$0x4] =	wrdreg $0x9  }
0xb1: {  	_ =	task.clear_ibuf [dreg:s7], $0x5FFFF;
	_ =	strace $0x90000049  }
0xb2: {  	s29 =	simm.s32 $0x9;
	_ =	strace $0x8000004B  }
0xb3: {  	_ =	swait.ge [sflag:s29], $0x1  }
0xb4: {  	[sflag:s29] =	ssyncadd.s32 $0xFFFFFFFF  }
0xb5: {  	_ =	strace $0x9000004B  }
0xb6: {  	_ =	sfence  }
0xb7: {  	s30 =	sld [smem:$0x0];
	_ =	sdelay $0x2  }
0xb8: {  	s31 =	sshll.u32 s1, $0xD;
	s1 =	sshrl.u32 s1, $0x2  }
0xb9: {  	s3 =	sand.u32 $0x4000, s31;
	s1 =	sadd.s32 s1, s30  }
0xba: {  	s0 =	sor.u32 s3, s0;
	s1 =	sshll.u32 s1, $0x11  }
0xbb: {  	s0 =	sor.u32 s1, s0  }
0xbc: {  	s0 =	sadd.s32 $0x8F2B, s0  }
0xbd: {  	[sflag:s0] =	ssyncadd.remote.s32 $0x1  }
0xbe: {  	_ =	sfence.sel $0xFFFF  }
0xbf: {  	[dreg:$0x0] =	wrdreg $0xFFFFFFFF;
	(pc) =	sbr.abs _section_cstart, $3  }
0xc0: {  	[dreg:$0x1] =	wrdreg $0xFFFFFFFF  }
0xc1: {  	_ =	task.clear_ibuf [dreg:s7], $0x2FFFF;
	_ =	strace $0x9FFFFFFF  }
0xc2: {  	(tm) =	ssettm $0x7FFFFFFF  }
0xc3: {  	_ =	shalt  }
tec
execute0_lowered:
.L_overlay_start_1:
0x0: {  	(tag) =	ssettag $0x1  }
0x1: {  	s0 =	rddreg [dreg:$0x0]  }
0x2: {  	s5 =	rddreg [dreg:$0x1];
	s3 =	srdreg.scid  }
0x3: {  	s2 =	simm.s32 $0x0;
	s1 =	stileid.u32;
	s26 =	simm.s32 $0x880  }
0x4: {  	s10 =	simm.s32 $0x1880;
	s11 =	simm.s32 $0x2080;
	s12 =	simm.s32 $0x2880  }
0x5: {  	s13 =	simm.s32 $0x3080;
	s14 =	simm.s32 $0x3880;
	s15 =	simm.s32 $0x4080  }
0x6: {  	s16 =	simm.s32 $0x4880;
	s17 =	simm.s32 $0x5080;
	s18 =	simm.s32 $0x5880  }
0x7: {  	s19 =	simm.s32 $0x6080;
	s20 =	simm.s32 $0x6880;
	s21 =	simm.s32 $0x7080  }
0x8: {  	s22 =	simm.s32 $0x7880;
	s28 =	simm.s32 $0xA080;
	s29 =	simm.s32 $0xA880  }
0x9: {  	s30 =	simm.s32 $0xB080;
	s31 =	simm.s32 $0xB880;
	s3 =	sand.u32 $0x1, s3  }
0xa: {  	[smem:$0x7FF] =	sst s2;
	s4 =	sshll.u32 s1, $0x4;
	s6 =	sshll.u32 s3, $0x3  }
0xb: {  	_ =	strace $0x8000004A;
	s23 =	ssub.s32 $0x2, s3;
	s3 =	sadd.s32 $0x1A00, s0  }
0xc: {  	[dreg:$0x5] =	wrdreg s26;
	s26 =	simm.s32 $0x9880;
	s4 =	sor.u32 s6, s4  }
0xd: {  	s8 =	sshrl.u32 s23, $0x1;
	s7 =	sadd.s32 s4, s0;
	s9 =	smul.u32 $0x300, s4  }
0xe: {  	s6 =	ssub.s32 s23, s8;
	s4 =	sadd.s32 $0x1B00, s0;
	s8 =	simm.s32 $0x80  }
0xf: {  	s23 =	simm.s32 $0x8080;
	s24 =	sadd.s32 $0x1800, s7;
	s6 =	smax.u32 s6, $0x1  }
0x10: {  	v2 =	vlaneseq.u32;
	s7 =	simm.s32 $0x2;
	[dreg:$0x3] =	wrdreg s24;
	s25 =	sadd.s32 s5, s9  }
0x11: {  	vm0 =	vmmov $0xffff;
	v1 =	vshrl.u32 v2, $0x3;
	s5 =	sadd.s32 $0x1C00, s0;
	s9 =	simm.s32 $0x1080;
	s24 =	simm.s32 $0x8880  }
0x12: {  	v0 =	vand.u32 $0x7, v2;
	v2 =	vor.u32 $0x8, v2;
	v1 =	vmul.u32 $0x8, v1;
	s0 =	simm.s32 $0x1;
	[dreg:$0x4] =	wrdreg s25;
	s25 =	simm.s32 $0x9080  }
.LBB2_1:
0x13: {  	s1 =	rddreg [dreg:$0x3]  }
0x14: {  	[tilespmem:s2], [sflag:$0x2] =	stream.linear.gather [hbm4b:s1+s2], $0x40, $0x38;
	[tilespmem:$0xC080] =	vst v63  }
0x15: {  	_ =	swait.ge [sflag:s7], $0x40  }
0x16: {  	[sflag:s7] =	ssyncset.done $0x0  }
0x17: {  	[sflag:s7] =	ssyncadd.s32 $0xFFFFFFC0  }
0x18: {  	v3 =	vld [tilespmem:$0x0];
	_ =	sdelay $0x4  }
0x19: {  	v4 =	vshrl.u32 v3, $0x3  }
0x1a: {  	v4 =	vmul.u32 $0x30, v4  }
0x1b: {  	v3 =	vand.u32 $0x7, v3  }
0x1c: {  	v3 =	vor.u32 v3, v4  }
0x1d: {  	v4 =	vperm.xlane v3, v0;
	_ =	sdelay $0x1  }
0x1e: {  	v4 =	vadd.s32 v1, v4;
	_ =	sdelay $0x3  }
0x1f: {  	v3 =	vperm.xlane v3, v2  }
0x20: {  	[tilespmem:s8], [sflag:$0x1] =	stream.indirect_vreg.gather [hbm4b:s3+s2], $0x80, v4, vm0, $0xb8;
	[tilespmem:$0xC080] =	vst v63  }
0x21: {  	s1 =	rddreg [dreg:$0x5];
	v3 =	vadd.s32 v1, v3  }
0x22: {  	[tilespmem:s1], [sflag:$0x1] =	stream.indirect_vreg.gather [hbm4b:s4+s2], $0x80, v4, vm0, $0xb8;
	[tilespmem:$0xC080] =	vst v63  }
0x23: {  	_ = 	snop  }
0x24: {  	[tilespmem:s9], [sflag:$0x1] =	stream.indirect_vreg.gather [hbm4b:s5+s2], $0x80, v4, vm0, $0xb8;
	[tilespmem:$0xC080] =	vst v63  }
0x25: {  	_ = 	snop  }
0x26: {  	[tilespmem:s10], [sflag:$0x1] =	stream.indirect_vreg.gather [hbm4b:s3+s2], $0x80, v3, vm0, $0xb8;
	[tilespmem:$0xC080] =	vst v63  }
0x27: {  	_ = 	snop  }
0x28: {  	[tilespmem:s11], [sflag:$0x1] =	stream.indirect_vreg.gather [hbm4b:s4+s2], $0x80, v3, vm0, $0xb8;
	[tilespmem:$0xC080] =	vst v63  }
0x29: {  	_ = 	snop  }
0x2a: {  	[tilespmem:s12], [sflag:$0x1] =	stream.indirect_vreg.gather [hbm4b:s5+s2], $0x80, v3, vm0, $0xb8;
	[tilespmem:$0xC080] =	vst v63  }
0x2b: {  	v3 =	vld [tilespmem:$0x10];
	_ =	sdelay $0x4  }
0x2c: {  	v61 =	vshrl.u32 v3, $0x3  }
0x2d: {  	v4 =	vmul.u32 $0x30, v61  }
0x2e: {  	v3 =	vand.u32 $0x7, v3  }
0x2f: {  	v3 =	vor.u32 v3, v4  }
0x30: {  	v4 =	vperm.xlane v3, v0;
	_ =	sdelay $0x1  }
0x31: {  	v4 =	vadd.s32 v1, v4;
	_ =	sdelay $0x3  }
0x32: {  	v3 =	vperm.xlane v3, v2  }
0x33: {  	[tilespmem:s13], [sflag:$0x1] =	stream.indirect_vreg.gather [hbm4b:s3+s2], $0x80, v4, vm0, $0xb8;
	[tilespmem:$0xC080] =	vst v63  }
0x34: {  	v3 =	vadd.s32 v1, v3  }
0x35: {  	[tilespmem:s14], [sflag:$0x1] =	stream.indirect_vreg.gather [hbm4b:s4+s2], $0x80, v4, vm0, $0xb8;
	[tilespmem:$0xC080] =	vst v63  }
0x36: {  	_ = 	snop  }
0x37: {  	[tilespmem:s15], [sflag:$0x1] =	stream.indirect_vreg.gather [hbm4b:s5+s2], $0x80, v4, vm0, $0xb8;
	[tilespmem:$0xC080] =	vst v63  }
0x38: {  	_ = 	snop  }
0x39: {  	[tilespmem:s16], [sflag:$0x1] =	stream.indirect_vreg.gather [hbm4b:s3+s2], $0x80, v3, vm0, $0xb8;
	[tilespmem:$0xC080] =	vst v63  }
0x3a: {  	_ = 	snop  }
0x3b: {  	[tilespmem:s17], [sflag:$0x1] =	stream.indirect_vreg.gather [hbm4b:s4+s2], $0x80, v3, vm0, $0xb8;
	[tilespmem:$0xC080] =	vst v63  }
0x3c: {  	_ = 	snop  }
0x3d: {  	[tilespmem:s18], [sflag:$0x1] =	stream.indirect_vreg.gather [hbm4b:s5+s2], $0x80, v3, vm0, $0xb8;
	[tilespmem:$0xC080] =	vst v63  }
0x3e: {  	v3 =	vld [tilespmem:$0x20];
	_ =	sdelay $0x4  }
0x3f: {  	v62 =	vshrl.u32 v3, $0x3  }
0x40: {  	v4 =	vmul.u32 $0x30, v62  }
0x41: {  	v3 =	vand.u32 $0x7, v3  }
0x42: {  	v3 =	vor.u32 v3, v4  }
0x43: {  	v4 =	vperm.xlane v3, v0;
	_ =	sdelay $0x1  }
0x44: {  	v4 =	vadd.s32 v1, v4;
	_ =	sdelay $0x3  }
0x45: {  	v3 =	vperm.xlane v3, v2  }
0x46: {  	[tilespmem:s19], [sflag:$0x1] =	stream.indirect_vreg.gather [hbm4b:s3+s2], $0x80, v4, vm0, $0xb8;
	[tilespmem:$0xC080] =	vst v63  }
0x47: {  	v3 =	vadd.s32 v1, v3  }
0x48: {  	[tilespmem:s20], [sflag:$0x1] =	stream.indirect_vreg.gather [hbm4b:s4+s2], $0x80, v4, vm0, $0xb8;
	[tilespmem:$0xC080] =	vst v63  }
0x49: {  	_ = 	snop  }
0x4a: {  	[tilespmem:s21], [sflag:$0x1] =	stream.indirect_vreg.gather [hbm4b:s5+s2], $0x80, v4, vm0, $0xb8;
	[tilespmem:$0xC080] =	vst v63  }
0x4b: {  	_ = 	snop  }
0x4c: {  	[tilespmem:s22], [sflag:$0x1] =	stream.indirect_vreg.gather [hbm4b:s3+s2], $0x80, v3, vm0, $0xb8;
	[tilespmem:$0xC080] =	vst v63  }
0x4d: {  	_ = 	snop  }
0x4e: {  	[tilespmem:s23], [sflag:$0x1] =	stream.indirect_vreg.gather [hbm4b:s4+s2], $0x80, v3, vm0, $0xb8;
	[tilespmem:$0xC080] =	vst v63  }
0x4f: {  	_ = 	snop  }
0x50: {  	[tilespmem:s24], [sflag:$0x1] =	stream.indirect_vreg.gather [hbm4b:s5+s2], $0x80, v3, vm0, $0xb8;
	[tilespmem:$0xC080] =	vst v63  }
0x51: {  	v3 =	vld [tilespmem:$0x30];
	_ =	sdelay $0x4  }
0x52: {  	v63 =	vshrl.u32 v3, $0x3  }
0x53: {  	v4 =	vmul.u32 $0x30, v63  }
0x54: {  	v3 =	vand.u32 $0x7, v3  }
0x55: {  	v3 =	vor.u32 v3, v4  }
0x56: {  	v4 =	vperm.xlane v3, v0;
	_ =	sdelay $0x1  }
0x57: {  	v4 =	vadd.s32 v1, v4;
	_ =	sdelay $0x3  }
0x58: {  	v3 =	vperm.xlane v3, v2  }
0x59: {  	[tilespmem:s25], [sflag:$0x1] =	stream.indirect_vreg.gather [hbm4b:s3+s2], $0x80, v4, vm0, $0xb8;
	[tilespmem:$0xC080] =	vst v63  }
0x5a: {  	v3 =	vadd.s32 v1, v3  }
0x5b: {  	[tilespmem:s26], [sflag:$0x1] =	stream.indirect_vreg.gather [hbm4b:s4+s2], $0x80, v4, vm0, $0xb8;
	[tilespmem:$0xC080] =	vst v63  }
0x5c: {  	_ = 	snop  }
0x5d: {  	[tilespmem:s28], [sflag:$0x1] =	stream.indirect_vreg.gather [hbm4b:s5+s2], $0x80, v4, vm0, $0xb8;
	[tilespmem:$0xC080] =	vst v63  }
0x5e: {  	_ = 	snop  }
0x5f: {  	[tilespmem:s29], [sflag:$0x1] =	stream.indirect_vreg.gather [hbm4b:s3+s2], $0x80, v3, vm0, $0xb8;
	[tilespmem:$0xC080] =	vst v63  }
0x60: {  	_ = 	snop  }
0x61: {  	[tilespmem:s30], [sflag:$0x1] =	stream.indirect_vreg.gather [hbm4b:s4+s2], $0x80, v3, vm0, $0xb8;
	[tilespmem:$0xC080] =	vst v63  }
0x62: {  	_ = 	snop  }
0x63: {  	[tilespmem:s31], [sflag:$0x1] =	stream.indirect_vreg.gather [hbm4b:s5+s2], $0x80, v3, vm0, $0xb8;
	[tilespmem:$0xC080] =	vst v63  }
0x64: {  	_ =	swait.ge [sflag:s0], $0xC000  }
0x65: {  	p0 =	sne.s32 s6, $0x1;
	[sflag:s0] =	ssyncset.done $0x0  }
.Ltmp0:
0x66: {  	s1 =	rddreg [dreg:$0x4];
	[sflag:s0] =	ssyncadd.s32 $0xFFFF4000;
	(pc) =	sbr.rel @p0 .LBB2_1-.Ltmp0, $4  }
0x67: {  	[hbm4b:s1+s2] =	stream.linear.scatter [tilespmem:s8], [sflag:$0x2], $0xC000, $0x38;
	[tilespmem:$0xC080] =	vst v63  }
0x68: {  	_ =	swait.ge [sflag:s7], $0xC000  }
0x69: {  	[sflag:s7] =	ssyncset.done $0x0  }
0x6a: {  	s6 =	sadd.s32 $0xFFFFFFFF, s6;
	[sflag:s7] =	ssyncadd.s32 $0xFFFF4000  }
0x6b: {  	_ =	sfence.sel $0x180000  }
0x6c: {  	[bflag:$0x0] =	sbarrier.arrive $0xFFFF  }
0x6d: {  	_ =	strace $0x9000004A  }
0x6e: {  	s0 =	stileid.u32;
	[bflag:$0x2] =	sbarrier.arrive $0xFFFF  }
0x6f: {  	p0 =	sne.s32 s0, $0x0;
	s0 =	rddreg [dreg:$0x2]  }
0x70: {  	s0 =	sadd.s32 @!p0 $0x100000, s0  }
0x71: {  	[sflag:s0] =	ssyncadd.tile.s32 @!p0 $0x1;
	_ =	shalt  }
.Lfunc_end2:
_tile_overlayer_lowered:
.L_overlay_start_2:
0x72: {  	(tag) =	ssettag $0x2  }
0x73: {  	s0 =	rddreg [dreg:$0x0];
	s2 =	stileid.u32  }
0x74: {  	s1 =	rddreg [dreg:$0x1];
	p0 =	sne.s32 s2, $0x0  }
0x75: {  	s3 =	rddreg [dreg:$0x2];
	[bflag:$0x3] =	sbarrier.arrive $0xFFFF;
	s2 =	simm.s32 @!p0 $0x1C02  }
0x76: {  	[timem:s3], [sflag:s2] =	dma.local @!p0 [hbm:s0], s1  }
0x77: {  	s0 =	simm.s32 @!p0 $0x2  }
0x78: {  	_ =	swait.ge @!p0 [sflag:s0], s1  }
0x79: {  	s1 =	ssub.s32 @!p0 $0x0, s1;
	[sflag:s0] =	ssyncset.done @!p0 $0x0  }
0x7a: {  	[sflag:s0] =	ssyncadd.s32 @!p0 s1  }
0x7b: {  	[bflag:$0x3] =	sbarrier.arrive $0xFFFF  }
0x7c: {  	_ =	shalt  }

</sc_bundles>
